<compile_context>
chip_gen: v7x
topology: tpu7x:2x2x1
jax: 0.10.2.dev20260603
libtpu: 0.0.44.dev20260713+nightly
codegen_flags: <defaults>
</compile_context>

<pallas_src>
import functools

import jax
import jax.numpy as jnp
from jax import lax
from jax.experimental import pallas as pl
from jax.experimental.pallas import tpu as pltpu
from jax.experimental.pallas import tpu_sc as plsc

_D = 256
_K = 8192
_ROWS = 256
_KSUB = 1024
_LANES = 128
_BLOCK = 2736


def _segments(g):
    lo_k, hi_k = g * _LANES, (g + 1) * _LANES
    segs = []
    b0, b1 = lo_k // _BLOCK, (hi_k - 1) // _BLOCK
    for b in range(b0, b1 + 1):
        s = max(lo_k, b * _BLOCK) - lo_k
        e = min(hi_k, (b + 1) * _BLOCK) - lo_k
        segs.append((s, e, b))
    return segs


def _argmin_body(x_ref, e_ref, xx_ref, ee_ref, idx_ref):
    x = x_ref[...]
    xb = x.astype(jnp.bfloat16)
    xx = xx_ref[...]
    inf32 = jnp.float32(jnp.inf)
    imax = jnp.int32(2**31 - 1)
    acc_v = jnp.full((_ROWS, 1), inf32, jnp.float32)
    acc_i = jnp.zeros((_ROWS, 1), jnp.int32)
    run_v = jnp.full((_ROWS, _LANES), inf32, jnp.float32)
    run_i = jnp.zeros((_ROWS, _LANES), jnp.int32)
    for s in range(_K // _KSUB):
        e = e_ref[pl.ds(s * _KSUB, _KSUB), :]
        dot = lax.dot_general(xb, e.astype(jnp.bfloat16), (((1,), (1,)), ((), ())),
                              preferred_element_type=jnp.float32)
        for c in range(_KSUB // _LANES):
            g = s * (_KSUB // _LANES) + c
            kbase = g * _LANES
            ee_c = ee_ref[:, pl.ds(kbase, _LANES)]
            d = (xx + ee_c) - 2.0 * dot[:, c * _LANES:(c + 1) * _LANES]
            ki = lax.broadcasted_iota(jnp.int32, (_ROWS, _LANES), 1) + kbase
            for (slo, shi, b) in _segments(g):
                if slo == 0 and shi == _LANES:
                    dm = d
                else:
                    lane = lax.broadcasted_iota(jnp.int32, (_ROWS, _LANES), 1)
                    inseg = (lane >= slo) & (lane < shi)
                    dm = jnp.where(inseg, d, inf32)
                upd = dm < run_v
                run_i = jnp.where(upd, ki, run_i)
                run_v = jnp.where(upd, dm, run_v)
                if kbase + shi == min((b + 1) * _BLOCK, _K):
                    m = jnp.min(run_v, axis=1, keepdims=True)
                    cand = jnp.where(run_v == m, run_i, imax)
                    bi = jnp.min(cand, axis=1, keepdims=True)
                    better = m < acc_v
                    acc_v = jnp.where(better, m, acc_v)
                    acc_i = jnp.where(better, bi, acc_i)
                    acc_v = acc_v.astype(jnp.bfloat16).astype(jnp.float32)
                    run_v = jnp.full((_ROWS, _LANES), inf32, jnp.float32)
                    run_i = jnp.zeros((_ROWS, _LANES), jnp.int32)
    idx_ref[...] = jnp.broadcast_to(acc_i, (_ROWS, 8))


def _argmin_indices(flat_x, embeddings, xx, ee_row):
    n = flat_x.shape[0]
    idx8 = pl.pallas_call(
        _argmin_body,
        grid=(n // _ROWS,),
        in_specs=[
            pl.BlockSpec((_ROWS, _D), lambda i: (i, 0)),
            pl.BlockSpec((_K, _D), lambda i: (0, 0)),
            pl.BlockSpec((_ROWS, 1), lambda i: (i, 0)),
            pl.BlockSpec((1, _K), lambda i: (0, 0)),
        ],
        out_specs=pl.BlockSpec((_ROWS, 8), lambda i: (i, 0)),
        out_shape=jax.ShapeDtypeStruct((n, 8), jnp.int32),
    )(flat_x, embeddings, xx, ee_row)
    return idx8[:, 0]


def _make_gather(n):
    info = plsc.get_sparse_core_info()
    nw = info.num_cores * info.num_subcores
    chunk = 128
    b_per_w = n // nw
    nchunks = b_per_w // chunk
    mesh = plsc.VectorSubcoreMesh(core_axis_name="c", subcore_axis_name="s")

    @functools.partial(
        pl.kernel, mesh=mesh,
        out_type=jax.ShapeDtypeStruct((n, _D), jnp.float32),
        scratch_types=[
            pltpu.VMEM((chunk,), jnp.int32),
            pltpu.VMEM((chunk, _D), jnp.float32),
            pltpu.SemaphoreType.DMA,
        ],
    )
    def gather_kernel(table_hbm, idx_hbm, out_hbm, idx_v, rows_v, sem):
        wid = lax.axis_index("s") * info.num_cores + lax.axis_index("c")
        base = wid * b_per_w
        for c in range(nchunks):
            b = base + c * chunk
            pltpu.sync_copy(idx_hbm.at[pl.ds(b, chunk)], idx_v)
            pltpu.async_copy(table_hbm.at[idx_v], rows_v, sem).wait()
            pltpu.sync_copy(rows_v, out_hbm.at[pl.ds(b, chunk)])

    return gather_kernel


def kernel(x, embeddings):
    b, d, t = x.shape
    xp = jnp.transpose(x, (0, 2, 1))
    flat_x = xp.reshape(-1, d)
    xx = jnp.sum(flat_x ** 2, axis=1, keepdims=True)
    ee = jnp.sum(embeddings ** 2, axis=1)
    idx = _argmin_indices(flat_x, embeddings, xx, ee.reshape(1, _K))
    gathered = _make_gather(flat_x.shape[0])(embeddings, idx)
    quantized = gathered.reshape(xp.shape)
    quant = xp + jax.lax.stop_gradient(quantized - xp)
    out = jnp.transpose(quant, (0, 2, 1))
    return (out, out)

# --- scband reference (transcript-rebuilt; emitter-appended) ---
"""Pipeline reference for scband-vector-quantizer-ema1-d-38654705664775 (READ-ONLY COPY).

The authoritative reference and input builder live on the scoring server;
editing this copy changes nothing except your own understanding.
"""

import jax, jax.numpy as jnp
import numpy as np

EMBEDDING_DIM = 256
NUM_EMBEDDINGS = 8192
DECAY = 0.99
EPSILON = 1e-05


def setup_inputs(seed: int = 0) -> dict:
    key = jax.random.key(seed)
    k1, k2 = jax.random.split(key)
    x = jax.random.normal(k1, (16, 256, 1024), dtype=jnp.float32)
    # xavier_uniform init for embeddings [K, D]
    bound = float(np.sqrt(6.0 / (NUM_EMBEDDINGS + EMBEDDING_DIM)))
    embeddings = jax.random.uniform(k2, (NUM_EMBEDDINGS, EMBEDDING_DIM), dtype=jnp.float32, minval=-bound, maxval=bound)
    return {"x": x, "embeddings": embeddings}


def reference(x, embeddings):
    # x: [B, D, T] -> permute to [B, T, D]
    B, D, T = x.shape
    K = embeddings.shape[0]
    xp = jnp.transpose(x, (0, 2, 1))
    flat_x = xp.reshape(-1, D)
    # nearest codebook indices
    distances = (jnp.sum(flat_x ** 2, axis=1, keepdims=True)
                 + jnp.sum(embeddings ** 2, axis=1)
                 - 2.0 * jnp.matmul(flat_x, embeddings.T))
    encoding_indices = jnp.argmin(distances, axis=1)
    quantized = jnp.take(embeddings, encoding_indices, axis=0).reshape(xp.shape)
    # training-mode EMA statistics (state update; counter=1 so average == value).
    # These mirror the torch.no_grad() block; they update buffers but do not
    # affect the returned output of this call.
    encodings = jax.nn.one_hot(encoding_indices, K, dtype=jnp.float32)
    updated_ema_cluster_size = jnp.sum(encodings, axis=0)
    n = jnp.sum(updated_ema_cluster_size)
    updated_ema_cluster_size = (updated_ema_cluster_size + EPSILON) / (n + K * EPSILON) * n
    dw = jnp.matmul(encodings.T, flat_x)
    updated_ema_dw = dw  # first EMA step: average == value
    new_embeddings = updated_ema_dw / updated_ema_cluster_size.reshape(-1, 1)
    new_embeddings = jax.lax.stop_gradient(new_embeddings)
    # straight-through estimator
    quant = xp + jax.lax.stop_gradient(quantized - xp)
    out = jnp.transpose(quant, (0, 2, 1))
    return (out, jax.lax.stop_gradient(out))

if __name__ == "__main__":
    import jax
    _d = setup_inputs()
    print(jax.jit(kernel)(*tuple(_d.values())))

</pallas_src>

<mosaic_0001>
#map = affine_map<(d0, d1) -> (0, 0)>
#map1 = affine_map<(d0, d1) -> (0)>
module attributes {stable_mosaic.version = 14 : i64} {
  func.func @gather_kernel(%arg0: i32, %arg1: i32, %arg2: memref<8192x256xf32, #tpu.memory_space<hbm>>, %arg3: memref<16384xi32, #tpu.memory_space<hbm>>, %arg4: memref<16384x256xf32, #tpu.memory_space<hbm>>, %arg5: memref<128xi32, #tpu.memory_space<vmem>>, %arg6: memref<128x256xf32, #tpu.memory_space<vmem>>, %arg7: memref<!tpu.dma_semaphore, #tpu.memory_space<semaphore_mem>>) attributes {dimension_semantics = [#tpu.dimension_semantics<core_parallel>, #tpu.dimension_semantics<subcore_parallel>], iteration_bounds = array<i64: 2, 16>, scalar_prefetch = 0 : i64, scratch_operands = 3 : i64, tpu.core_type = #tpu.core_type<sc_vector_subcore>, window_params = [{transform_indices = #map}, {transform_indices = #map1}, {transform_indices = #map}]} {
    %mul3A = arith.constant 2 : i32
    %mul3A_0 = arith.muli %arg1, %mul3A : i32
    %add3A = arith.addi %mul3A_0, %arg0 : i32
    %mul3A_1 = arith.constant 512 : i32
    %mul3A_2 = arith.muli %add3A, %mul3A_1 : i32
    %add3A_3 = arith.constant 0 : i32
    %add3A_4 = arith.addi %mul3A_2, %add3A_3 : i32
    "tpu.region"() ({
      %run_scoped3A = tpu.sem_alloc : memref<!tpu.dma_semaphore, #tpu.memory_space<semaphore_mem>>
      %dma_start3A_33 = tpu.memref_slice %arg3[%add3A_4] : memref<16384xi32, #tpu.memory_space<hbm>> -> memref<128xi32, #tpu.memory_space<hbm>>
      %dma_start3A_34 = tpu.memref_slice %arg3[%add3A_4] : memref<16384xi32, #tpu.memory_space<hbm>> -> memref<128xi32, #tpu.memory_space<hbm>>
      tpu.enqueue_dma source(%dma_start3A_34 : memref<128xi32, #tpu.memory_space<hbm>>) target(%arg5 : memref<128xi32, #tpu.memory_space<vmem>>) target_semaphore(%run_scoped3A : memref<!tpu.dma_semaphore, #tpu.memory_space<semaphore_mem>>)
      %dma_wait3A_35 = tpu.memref_slice %arg3[%add3A_4] : memref<16384xi32, #tpu.memory_space<hbm>> -> memref<128xi32, #tpu.memory_space<hbm>>
      %dma_wait3A_36 = tpu.memref_slice %arg3[%add3A_4] : memref<16384xi32, #tpu.memory_space<hbm>> -> memref<128xi32, #tpu.memory_space<hbm>>
      tpu.wait_dma2 semaphore(%run_scoped3A : memref<!tpu.dma_semaphore, #tpu.memory_space<semaphore_mem>>) src(%dma_wait3A_36 : memref<128xi32, #tpu.memory_space<hbm>>) dst(%arg5 : memref<128xi32, #tpu.memory_space<vmem>>)
      tpu.yield
    }) : () -> ()
    %dma_start3A = arith.constant 0 : i32
    %dma_start3A_5 = arith.constant 0 : i32
    %dma_start3A_6 = tpu.memref_slice %arg2[%dma_start3A, %dma_start3A_5] : memref<8192x256xf32, #tpu.memory_space<hbm>> -> memref<8192x256xf32, #tpu.memory_space<hbm>>
    tpu.enqueue_indirect_dma source(%dma_start3A_6 : memref<8192x256xf32, #tpu.memory_space<hbm>>) target(%arg6 : memref<128x256xf32, #tpu.memory_space<vmem>>) offsets(%arg5 : memref<128xi32, #tpu.memory_space<vmem>>) semaphore(%arg7 : memref<!tpu.dma_semaphore, #tpu.memory_space<semaphore_mem>>)
    %dma_wait3A = arith.constant 0 : i32
    %dma_wait3A_7 = arith.constant 0 : i32
    %dma_wait3A_8 = tpu.memref_slice %arg2[%dma_wait3A, %dma_wait3A_7] : memref<8192x256xf32, #tpu.memory_space<hbm>> -> memref<8192x256xf32, #tpu.memory_space<hbm>>
    tpu.wait_indirect_dma semaphore(%arg7 : memref<!tpu.dma_semaphore, #tpu.memory_space<semaphore_mem>>) src(%dma_wait3A_8 : memref<8192x256xf32, #tpu.memory_space<hbm>>) dst(%arg6 : memref<128x256xf32, #tpu.memory_space<vmem>>)
    "tpu.region"() ({
      %run_scoped3A = tpu.sem_alloc : memref<!tpu.dma_semaphore, #tpu.memory_space<semaphore_mem>>
      %dma_start3A_33 = arith.constant 0 : i32
      %dma_start3A_34 = tpu.memref_slice %arg4[%add3A_4, %dma_start3A_33] : memref<16384x256xf32, #tpu.memory_space<hbm>> -> memref<128x256xf32, #tpu.memory_space<hbm>>
      %dma_start3A_35 = arith.constant 0 : i32
      %dma_start3A_36 = tpu.memref_slice %arg4[%add3A_4, %dma_start3A_35] : memref<16384x256xf32, #tpu.memory_space<hbm>> -> memref<128x256xf32, #tpu.memory_space<hbm>>
      tpu.enqueue_dma source(%arg6 : memref<128x256xf32, #tpu.memory_space<vmem>>) target(%dma_start3A_36 : memref<128x256xf32, #tpu.memory_space<hbm>>) target_semaphore(%run_scoped3A : memref<!tpu.dma_semaphore, #tpu.memory_space<semaphore_mem>>)
      %dma_wait3A_37 = arith.constant 0 : i32
      %dma_wait3A_38 = tpu.memref_slice %arg4[%add3A_4, %dma_wait3A_37] : memref<16384x256xf32, #tpu.memory_space<hbm>> -> memref<128x256xf32, #tpu.memory_space<hbm>>
      %dma_wait3A_39 = arith.constant 0 : i32
      %dma_wait3A_40 = tpu.memref_slice %arg4[%add3A_4, %dma_wait3A_39] : memref<16384x256xf32, #tpu.memory_space<hbm>> -> memref<128x256xf32, #tpu.memory_space<hbm>>
      tpu.wait_dma2 semaphore(%run_scoped3A : memref<!tpu.dma_semaphore, #tpu.memory_space<semaphore_mem>>) src(%arg6 : memref<128x256xf32, #tpu.memory_space<vmem>>) dst(%dma_wait3A_40 : memref<128x256xf32, #tpu.memory_space<hbm>>)
      tpu.yield
    }) : () -> ()
    %add3A_9 = arith.constant 128 : i32
    %add3A_10 = arith.addi %mul3A_2, %add3A_9 : i32
    "tpu.region"() ({
      %run_scoped3A = tpu.sem_alloc : memref<!tpu.dma_semaphore, #tpu.memory_space<semaphore_mem>>
      %dma_start3A_33 = tpu.memref_slice %arg3[%add3A_10] : memref<16384xi32, #tpu.memory_space<hbm>> -> memref<128xi32, #tpu.memory_space<hbm>>
      %dma_start3A_34 = tpu.memref_slice %arg3[%add3A_10] : memref<16384xi32, #tpu.memory_space<hbm>> -> memref<128xi32, #tpu.memory_space<hbm>>
      tpu.enqueue_dma source(%dma_start3A_34 : memref<128xi32, #tpu.memory_space<hbm>>) target(%arg5 : memref<128xi32, #tpu.memory_space<vmem>>) target_semaphore(%run_scoped3A : memref<!tpu.dma_semaphore, #tpu.memory_space<semaphore_mem>>)
      %dma_wait3A_35 = tpu.memref_slice %arg3[%add3A_10] : memref<16384xi32, #tpu.memory_space<hbm>> -> memref<128xi32, #tpu.memory_space<hbm>>
      %dma_wait3A_36 = tpu.memref_slice %arg3[%add3A_10] : memref<16384xi32, #tpu.memory_space<hbm>> -> memref<128xi32, #tpu.memory_space<hbm>>
      tpu.wait_dma2 semaphore(%run_scoped3A : memref<!tpu.dma_semaphore, #tpu.memory_space<semaphore_mem>>) src(%dma_wait3A_36 : memref<128xi32, #tpu.memory_space<hbm>>) dst(%arg5 : memref<128xi32, #tpu.memory_space<vmem>>)
      tpu.yield
    }) : () -> ()
    %dma_start3A_11 = arith.constant 0 : i32
    %dma_start3A_12 = arith.constant 0 : i32
    %dma_start3A_13 = tpu.memref_slice %arg2[%dma_start3A_11, %dma_start3A_12] : memref<8192x256xf32, #tpu.memory_space<hbm>> -> memref<8192x256xf32, #tpu.memory_space<hbm>>
    tpu.enqueue_indirect_dma source(%dma_start3A_13 : memref<8192x256xf32, #tpu.memory_space<hbm>>) target(%arg6 : memref<128x256xf32, #tpu.memory_space<vmem>>) offsets(%arg5 : memref<128xi32, #tpu.memory_space<vmem>>) semaphore(%arg7 : memref<!tpu.dma_semaphore, #tpu.memory_space<semaphore_mem>>)
    %dma_wait3A_14 = arith.constant 0 : i32
    %dma_wait3A_15 = arith.constant 0 : i32
    %dma_wait3A_16 = tpu.memref_slice %arg2[%dma_wait3A_14, %dma_wait3A_15] : memref<8192x256xf32, #tpu.memory_space<hbm>> -> memref<8192x256xf32, #tpu.memory_space<hbm>>
    tpu.wait_indirect_dma semaphore(%arg7 : memref<!tpu.dma_semaphore, #tpu.memory_space<semaphore_mem>>) src(%dma_wait3A_16 : memref<8192x256xf32, #tpu.memory_space<hbm>>) dst(%arg6 : memref<128x256xf32, #tpu.memory_space<vmem>>)
    "tpu.region"() ({
      %run_scoped3A = tpu.sem_alloc : memref<!tpu.dma_semaphore, #tpu.memory_space<semaphore_mem>>
      %dma_start3A_33 = arith.constant 0 : i32
      %dma_start3A_34 = tpu.memref_slice %arg4[%add3A_10, %dma_start3A_33] : memref<16384x256xf32, #tpu.memory_space<hbm>> -> memref<128x256xf32, #tpu.memory_space<hbm>>
      %dma_start3A_35 = arith.constant 0 : i32
      %dma_start3A_36 = tpu.memref_slice %arg4[%add3A_10, %dma_start3A_35] : memref<16384x256xf32, #tpu.memory_space<hbm>> -> memref<128x256xf32, #tpu.memory_space<hbm>>
      tpu.enqueue_dma source(%arg6 : memref<128x256xf32, #tpu.memory_space<vmem>>) target(%dma_start3A_36 : memref<128x256xf32, #tpu.memory_space<hbm>>) target_semaphore(%run_scoped3A : memref<!tpu.dma_semaphore, #tpu.memory_space<semaphore_mem>>)
      %dma_wait3A_37 = arith.constant 0 : i32
      %dma_wait3A_38 = tpu.memref_slice %arg4[%add3A_10, %dma_wait3A_37] : memref<16384x256xf32, #tpu.memory_space<hbm>> -> memref<128x256xf32, #tpu.memory_space<hbm>>
      %dma_wait3A_39 = arith.constant 0 : i32
      %dma_wait3A_40 = tpu.memref_slice %arg4[%add3A_10, %dma_wait3A_39] : memref<16384x256xf32, #tpu.memory_space<hbm>> -> memref<128x256xf32, #tpu.memory_space<hbm>>
      tpu.wait_dma2 semaphore(%run_scoped3A : memref<!tpu.dma_semaphore, #tpu.memory_space<semaphore_mem>>) src(%arg6 : memref<128x256xf32, #tpu.memory_space<vmem>>) dst(%dma_wait3A_40 : memref<128x256xf32, #tpu.memory_space<hbm>>)
      tpu.yield
    }) : () -> ()
    %add3A_17 = arith.constant 256 : i32
    %add3A_18 = arith.addi %mul3A_2, %add3A_17 : i32
    "tpu.region"() ({
      %run_scoped3A = tpu.sem_alloc : memref<!tpu.dma_semaphore, #tpu.memory_space<semaphore_mem>>
      %dma_start3A_33 = tpu.memref_slice %arg3[%add3A_18] : memref<16384xi32, #tpu.memory_space<hbm>> -> memref<128xi32, #tpu.memory_space<hbm>>
      %dma_start3A_34 = tpu.memref_slice %arg3[%add3A_18] : memref<16384xi32, #tpu.memory_space<hbm>> -> memref<128xi32, #tpu.memory_space<hbm>>
      tpu.enqueue_dma source(%dma_start3A_34 : memref<128xi32, #tpu.memory_space<hbm>>) target(%arg5 : memref<128xi32, #tpu.memory_space<vmem>>) target_semaphore(%run_scoped3A : memref<!tpu.dma_semaphore, #tpu.memory_space<semaphore_mem>>)
      %dma_wait3A_35 = tpu.memref_slice %arg3[%add3A_18] : memref<16384xi32, #tpu.memory_space<hbm>> -> memref<128xi32, #tpu.memory_space<hbm>>
      %dma_wait3A_36 = tpu.memref_slice %arg3[%add3A_18] : memref<16384xi32, #tpu.memory_space<hbm>> -> memref<128xi32, #tpu.memory_space<hbm>>
      tpu.wait_dma2 semaphore(%run_scoped3A : memref<!tpu.dma_semaphore, #tpu.memory_space<semaphore_mem>>) src(%dma_wait3A_36 : memref<128xi32, #tpu.memory_space<hbm>>) dst(%arg5 : memref<128xi32, #tpu.memory_space<vmem>>)
      tpu.yield
    }) : () -> ()
    %dma_start3A_19 = arith.constant 0 : i32
    %dma_start3A_20 = arith.constant 0 : i32
    %dma_start3A_21 = tpu.memref_slice %arg2[%dma_start3A_19, %dma_start3A_20] : memref<8192x256xf32, #tpu.memory_space<hbm>> -> memref<8192x256xf32, #tpu.memory_space<hbm>>
    tpu.enqueue_indirect_dma source(%dma_start3A_21 : memref<8192x256xf32, #tpu.memory_space<hbm>>) target(%arg6 : memref<128x256xf32, #tpu.memory_space<vmem>>) offsets(%arg5 : memref<128xi32, #tpu.memory_space<vmem>>) semaphore(%arg7 : memref<!tpu.dma_semaphore, #tpu.memory_space<semaphore_mem>>)
    %dma_wait3A_22 = arith.constant 0 : i32
    %dma_wait3A_23 = arith.constant 0 : i32
    %dma_wait3A_24 = tpu.memref_slice %arg2[%dma_wait3A_22, %dma_wait3A_23] : memref<8192x256xf32, #tpu.memory_space<hbm>> -> memref<8192x256xf32, #tpu.memory_space<hbm>>
    tpu.wait_indirect_dma semaphore(%arg7 : memref<!tpu.dma_semaphore, #tpu.memory_space<semaphore_mem>>) src(%dma_wait3A_24 : memref<8192x256xf32, #tpu.memory_space<hbm>>) dst(%arg6 : memref<128x256xf32, #tpu.memory_space<vmem>>)
    "tpu.region"() ({
      %run_scoped3A = tpu.sem_alloc : memref<!tpu.dma_semaphore, #tpu.memory_space<semaphore_mem>>
      %dma_start3A_33 = arith.constant 0 : i32
      %dma_start3A_34 = tpu.memref_slice %arg4[%add3A_18, %dma_start3A_33] : memref<16384x256xf32, #tpu.memory_space<hbm>> -> memref<128x256xf32, #tpu.memory_space<hbm>>
      %dma_start3A_35 = arith.constant 0 : i32
      %dma_start3A_36 = tpu.memref_slice %arg4[%add3A_18, %dma_start3A_35] : memref<16384x256xf32, #tpu.memory_space<hbm>> -> memref<128x256xf32, #tpu.memory_space<hbm>>
      tpu.enqueue_dma source(%arg6 : memref<128x256xf32, #tpu.memory_space<vmem>>) target(%dma_start3A_36 : memref<128x256xf32, #tpu.memory_space<hbm>>) target_semaphore(%run_scoped3A : memref<!tpu.dma_semaphore, #tpu.memory_space<semaphore_mem>>)
      %dma_wait3A_37 = arith.constant 0 : i32
      %dma_wait3A_38 = tpu.memref_slice %arg4[%add3A_18, %dma_wait3A_37] : memref<16384x256xf32, #tpu.memory_space<hbm>> -> memref<128x256xf32, #tpu.memory_space<hbm>>
      %dma_wait3A_39 = arith.constant 0 : i32
      %dma_wait3A_40 = tpu.memref_slice %arg4[%add3A_18, %dma_wait3A_39] : memref<16384x256xf32, #tpu.memory_space<hbm>> -> memref<128x256xf32, #tpu.memory_space<hbm>>
      tpu.wait_dma2 semaphore(%run_scoped3A : memref<!tpu.dma_semaphore, #tpu.memory_space<semaphore_mem>>) src(%arg6 : memref<128x256xf32, #tpu.memory_space<vmem>>) dst(%dma_wait3A_40 : memref<128x256xf32, #tpu.memory_space<hbm>>)
      tpu.yield
    }) : () -> ()
    %add3A_25 = arith.constant 384 : i32
    %add3A_26 = arith.addi %mul3A_2, %add3A_25 : i32
    "tpu.region"() ({
      %run_scoped3A = tpu.sem_alloc : memref<!tpu.dma_semaphore, #tpu.memory_space<semaphore_mem>>
      %dma_start3A_33 = tpu.memref_slice %arg3[%add3A_26] : memref<16384xi32, #tpu.memory_space<hbm>> -> memref<128xi32, #tpu.memory_space<hbm>>
      %dma_start3A_34 = tpu.memref_slice %arg3[%add3A_26] : memref<16384xi32, #tpu.memory_space<hbm>> -> memref<128xi32, #tpu.memory_space<hbm>>
      tpu.enqueue_dma source(%dma_start3A_34 : memref<128xi32, #tpu.memory_space<hbm>>) target(%arg5 : memref<128xi32, #tpu.memory_space<vmem>>) target_semaphore(%run_scoped3A : memref<!tpu.dma_semaphore, #tpu.memory_space<semaphore_mem>>)
      %dma_wait3A_35 = tpu.memref_slice %arg3[%add3A_26] : memref<16384xi32, #tpu.memory_space<hbm>> -> memref<128xi32, #tpu.memory_space<hbm>>
      %dma_wait3A_36 = tpu.memref_slice %arg3[%add3A_26] : memref<16384xi32, #tpu.memory_space<hbm>> -> memref<128xi32, #tpu.memory_space<hbm>>
      tpu.wait_dma2 semaphore(%run_scoped3A : memref<!tpu.dma_semaphore, #tpu.memory_space<semaphore_mem>>) src(%dma_wait3A_36 : memref<128xi32, #tpu.memory_space<hbm>>) dst(%arg5 : memref<128xi32, #tpu.memory_space<vmem>>)
      tpu.yield
    }) : () -> ()
    %dma_start3A_27 = arith.constant 0 : i32
    %dma_start3A_28 = arith.constant 0 : i32
    %dma_start3A_29 = tpu.memref_slice %arg2[%dma_start3A_27, %dma_start3A_28] : memref<8192x256xf32, #tpu.memory_space<hbm>> -> memref<8192x256xf32, #tpu.memory_space<hbm>>
    tpu.enqueue_indirect_dma source(%dma_start3A_29 : memref<8192x256xf32, #tpu.memory_space<hbm>>) target(%arg6 : memref<128x256xf32, #tpu.memory_space<vmem>>) offsets(%arg5 : memref<128xi32, #tpu.memory_space<vmem>>) semaphore(%arg7 : memref<!tpu.dma_semaphore, #tpu.memory_space<semaphore_mem>>)
    %dma_wait3A_30 = arith.constant 0 : i32
    %dma_wait3A_31 = arith.constant 0 : i32
    %dma_wait3A_32 = tpu.memref_slice %arg2[%dma_wait3A_30, %dma_wait3A_31] : memref<8192x256xf32, #tpu.memory_space<hbm>> -> memref<8192x256xf32, #tpu.memory_space<hbm>>
    tpu.wait_indirect_dma semaphore(%arg7 : memref<!tpu.dma_semaphore, #tpu.memory_space<semaphore_mem>>) src(%dma_wait3A_32 : memref<8192x256xf32, #tpu.memory_space<hbm>>) dst(%arg6 : memref<128x256xf32, #tpu.memory_space<vmem>>)
    "tpu.region"() ({
      %run_scoped3A = tpu.sem_alloc : memref<!tpu.dma_semaphore, #tpu.memory_space<semaphore_mem>>
      %dma_start3A_33 = arith.constant 0 : i32
      %dma_start3A_34 = tpu.memref_slice %arg4[%add3A_26, %dma_start3A_33] : memref<16384x256xf32, #tpu.memory_space<hbm>> -> memref<128x256xf32, #tpu.memory_space<hbm>>
      %dma_start3A_35 = arith.constant 0 : i32
      %dma_start3A_36 = tpu.memref_slice %arg4[%add3A_26, %dma_start3A_35] : memref<16384x256xf32, #tpu.memory_space<hbm>> -> memref<128x256xf32, #tpu.memory_space<hbm>>
      tpu.enqueue_dma source(%arg6 : memref<128x256xf32, #tpu.memory_space<vmem>>) target(%dma_start3A_36 : memref<128x256xf32, #tpu.memory_space<hbm>>) target_semaphore(%run_scoped3A : memref<!tpu.dma_semaphore, #tpu.memory_space<semaphore_mem>>)
      %dma_wait3A_37 = arith.constant 0 : i32
      %dma_wait3A_38 = tpu.memref_slice %arg4[%add3A_26, %dma_wait3A_37] : memref<16384x256xf32, #tpu.memory_space<hbm>> -> memref<128x256xf32, #tpu.memory_space<hbm>>
      %dma_wait3A_39 = arith.constant 0 : i32
      %dma_wait3A_40 = tpu.memref_slice %arg4[%add3A_26, %dma_wait3A_39] : memref<16384x256xf32, #tpu.memory_space<hbm>> -> memref<128x256xf32, #tpu.memory_space<hbm>>
      tpu.wait_dma2 semaphore(%run_scoped3A : memref<!tpu.dma_semaphore, #tpu.memory_space<semaphore_mem>>) src(%arg6 : memref<128x256xf32, #tpu.memory_space<vmem>>) dst(%dma_wait3A_40 : memref<128x256xf32, #tpu.memory_space<hbm>>)
      tpu.yield
    }) : () -> ()
    return
  }
}

module attributes {stable_mosaic.version = 14 : i64} {
  func.func @_argmin_body(%arg0: i32, %arg1: memref<256x256xf32, #tpu.memory_space<vmem>>, %arg2: memref<8192x256xf32, #tpu.memory_space<vmem>>, %arg3: memref<256x1xf32, #tpu.memory_space<vmem>>, %arg4: memref<1x8192xf32, #tpu.memory_space<vmem>>, %arg5: memref<256x8xi32, #tpu.memory_space<vmem>>) attributes {dimension_semantics = [#tpu.dimension_semantics<arbitrary>], iteration_bounds = array<i64: 64>, scalar_prefetch = 0 : i64, scratch_operands = 0 : i64, tpu.core_type = #tpu.core_type<tc>, window_params = [{transform_indices = @transform_0, window_bounds = array<i64: 256, 256>}, {pipeline_mode = #tpu.pipeline_mode<synchronous>, transform_indices = @transform_1, window_bounds = array<i64: 8192, 256>}, {transform_indices = @transform_2, window_bounds = array<i64: 256, 1>}, {pipeline_mode = #tpu.pipeline_mode<synchronous>, transform_indices = @transform_3, window_bounds = array<i64: 1, 8192>}, {transform_indices = @transform_4, window_bounds = array<i64: 256, 8>}]} {
    %get3A = arith.constant 0 : index
    %get3A_0 = arith.constant 0 : index
    %get3A_1 = vector.load %arg1[%get3A, %get3A_0] : memref<256x256xf32, #tpu.memory_space<vmem>>, vector<256x256xf32>
    %convert_element_type3A = arith.truncf %get3A_1 : vector<256x256xf32> to vector<256x256xbf16>
    %get3A_2 = arith.constant 0 : index
    %get3A_3 = arith.constant 0 : index
    %get3A_4 = vector.load %arg3[%get3A_2, %get3A_3] : memref<256x1xf32, #tpu.memory_space<vmem>>, vector<256x1xf32>
    %broadcast_in_dim3A = arith.constant 0x7F800000 : f32
    %broadcast_in_dim3A_5 = vector.broadcast %broadcast_in_dim3A : f32 to vector<256x1xf32>
    %broadcast_in_dim3A_6 = arith.constant 0 : i32
    %broadcast_in_dim3A_7 = vector.broadcast %broadcast_in_dim3A_6 : i32 to vector<256x1xi32>
    %broadcast_in_dim3A_8 = arith.constant 0x7F800000 : f32
    %broadcast_in_dim3A_9 = vector.broadcast %broadcast_in_dim3A_8 : f32 to vector<256x128xf32>
    %broadcast_in_dim3A_10 = arith.constant 0 : i32
    %broadcast_in_dim3A_11 = vector.broadcast %broadcast_in_dim3A_10 : i32 to vector<256x128xi32>
    %get3A_12 = arith.constant 0 : index
    %get3A_13 = arith.constant 0 : index
    %get3A_14 = vector.load %arg2[%get3A_12, %get3A_13] : memref<8192x256xf32, #tpu.memory_space<vmem>>, vector<1024x256xf32>
    %convert_element_type3A_15 = arith.truncf %get3A_14 : vector<1024x256xf32> to vector<1024x256xbf16>
    %dot_general3A = arith.constant dense<0.000000e+00> : vector<256x1024xf32>
    %dot_general3A_16 = tpu.matmul %convert_element_type3A, %convert_element_type3A_15, %dot_general3A {dimension_numbers = #tpu.dot_dimension_numbers<[1], [1], [0], [0], [0, 0, 1, 0], [], []>, transpose_lhs_hint = false} : vector<256x256xbf16>, vector<1024x256xbf16>, vector<256x1024xf32> -> vector<256x1024xf32>
    %get3A_17 = arith.constant 0 : index
    %get3A_18 = arith.constant 0 : index
    %get3A_19 = vector.load %arg4[%get3A_17, %get3A_18] : memref<1x8192xf32, #tpu.memory_space<vmem>>, vector<1x128xf32>
    %add3A = vector.broadcast %get3A_4 : vector<256x1xf32> to vector<256x128xf32>
    %add3A_20 = vector.broadcast %get3A_19 : vector<1x128xf32> to vector<256x128xf32>
    %add3A_21 = arith.addf %add3A, %add3A_20 : vector<256x128xf32>
    %slice3A = vector.extract_strided_slice %dot_general3A_16 {offsets = [0, 0], sizes = [256, 128], strides = [1, 1]} : vector<256x1024xf32> to vector<256x128xf32>
    %mul3A = arith.constant 2.000000e+00 : f32
    %mul3A_22 = vector.broadcast %mul3A : f32 to vector<256x128xf32>
    %mul3A_23 = arith.mulf %mul3A_22, %slice3A : vector<256x128xf32>
    %sub3A = arith.subf %add3A_21, %mul3A_23 : vector<256x128xf32>
    %iota3A = tpu.iota {dimensions = array<i32: 1>} : vector<256x128xi32>
    %add3A_24 = arith.constant 0 : i32
    %add3A_25 = vector.broadcast %add3A_24 : i32 to vector<256x128xi32>
    %add3A_26 = arith.addi %iota3A, %add3A_25 : vector<256x128xi32>
    %lt3A = arith.cmpf olt, %sub3A, %broadcast_in_dim3A_9 : vector<256x128xf32>
    %select_n3A = arith.select %lt3A, %add3A_26, %broadcast_in_dim3A_11 : vector<256x128xi1>, vector<256x128xi32>
    %select_n3A_27 = arith.select %lt3A, %sub3A, %broadcast_in_dim3A_9 : vector<256x128xi1>, vector<256x128xf32>
    %get3A_28 = arith.constant 0 : index
    %get3A_29 = arith.constant 128 : index
    %get3A_30 = vector.load %arg4[%get3A_28, %get3A_29] : memref<1x8192xf32, #tpu.memory_space<vmem>>, vector<1x128xf32>
    %add3A_31 = vector.broadcast %get3A_4 : vector<256x1xf32> to vector<256x128xf32>
    %add3A_32 = vector.broadcast %get3A_30 : vector<1x128xf32> to vector<256x128xf32>
    %add3A_33 = arith.addf %add3A_31, %add3A_32 : vector<256x128xf32>
    %slice3A_34 = vector.extract_strided_slice %dot_general3A_16 {offsets = [0, 128], sizes = [256, 128], strides = [1, 1]} : vector<256x1024xf32> to vector<256x128xf32>
    %mul3A_35 = arith.constant 2.000000e+00 : f32
    %mul3A_36 = vector.broadcast %mul3A_35 : f32 to vector<256x128xf32>
    %mul3A_37 = arith.mulf %mul3A_36, %slice3A_34 : vector<256x128xf32>
    %sub3A_38 = arith.subf %add3A_33, %mul3A_37 : vector<256x128xf32>
    %iota3A_39 = tpu.iota {dimensions = array<i32: 1>} : vector<256x128xi32>
    %add3A_40 = arith.constant 128 : i32
    %add3A_41 = vector.broadcast %add3A_40 : i32 to vector<256x128xi32>
    %add3A_42 = arith.addi %iota3A_39, %add3A_41 : vector<256x128xi32>
    %lt3A_43 = arith.cmpf olt, %sub3A_38, %select_n3A_27 : vector<256x128xf32>
    %select_n3A_44 = arith.select %lt3A_43, %add3A_42, %select_n3A : vector<256x128xi1>, vector<256x128xi32>
    %select_n3A_45 = arith.select %lt3A_43, %sub3A_38, %select_n3A_27 : vector<256x128xi1>, vector<256x128xf32>
    %get3A_46 = arith.constant 0 : index
    %get3A_47 = arith.constant 256 : index
    %get3A_48 = vector.load %arg4[%get3A_46, %get3A_47] : memref<1x8192xf32, #tpu.memory_space<vmem>>, vector<1x128xf32>
    %add3A_49 = vector.broadcast %get3A_4 : vector<256x1xf32> to vector<256x128xf32>
    %add3A_50 = vector.broadcast %get3A_48 : vector<1x128xf32> to vector<256x128xf32>
    %add3A_51 = arith.addf %add3A_49, %add3A_50 : vector<256x128xf32>
    %slice3A_52 = vector.extract_strided_slice %dot_general3A_16 {offsets = [0, 256], sizes = [256, 128], strides = [1, 1]} : vector<256x1024xf32> to vector<256x128xf32>
    %mul3A_53 = arith.constant 2.000000e+00 : f32
    %mul3A_54 = vector.broadcast %mul3A_53 : f32 to vector<256x128xf32>
    %mul3A_55 = arith.mulf %mul3A_54, %slice3A_52 : vector<256x128xf32>
    %sub3A_56 = arith.subf %add3A_51, %mul3A_55 : vector<256x128xf32>
    %iota3A_57 = tpu.iota {dimensions = array<i32: 1>} : vector<256x128xi32>
    %add3A_58 = arith.constant 256 : i32
    %add3A_59 = vector.broadcast %add3A_58 : i32 to vector<256x128xi32>
    %add3A_60 = arith.addi %iota3A_57, %add3A_59 : vector<256x128xi32>
    %lt3A_61 = arith.cmpf olt, %sub3A_56, %select_n3A_45 : vector<256x128xf32>
    %select_n3A_62 = arith.select %lt3A_61, %add3A_60, %select_n3A_44 : vector<256x128xi1>, vector<256x128xi32>
    %select_n3A_63 = arith.select %lt3A_61, %sub3A_56, %select_n3A_45 : vector<256x128xi1>, vector<256x128xf32>
    %get3A_64 = arith.constant 0 : index
    %get3A_65 = arith.constant 384 : index
    %get3A_66 = vector.load %arg4[%get3A_64, %get3A_65] : memref<1x8192xf32, #tpu.memory_space<vmem>>, vector<1x128xf32>
    %add3A_67 = vector.broadcast %get3A_4 : vector<256x1xf32> to vector<256x128xf32>
    %add3A_68 = vector.broadcast %get3A_66 : vector<1x128xf32> to vector<256x128xf32>
    %add3A_69 = arith.addf %add3A_67, %add3A_68 : vector<256x128xf32>
    %slice3A_70 = vector.extract_strided_slice %dot_general3A_16 {offsets = [0, 384], sizes = [256, 128], strides = [1, 1]} : vector<256x1024xf32> to vector<256x128xf32>
    %mul3A_71 = arith.constant 2.000000e+00 : f32
    %mul3A_72 = vector.broadcast %mul3A_71 : f32 to vector<256x128xf32>
    %mul3A_73 = arith.mulf %mul3A_72, %slice3A_70 : vector<256x128xf32>
    %sub3A_74 = arith.subf %add3A_69, %mul3A_73 : vector<256x128xf32>
    %iota3A_75 = tpu.iota {dimensions = array<i32: 1>} : vector<256x128xi32>
    %add3A_76 = arith.constant 384 : i32
    %add3A_77 = vector.broadcast %add3A_76 : i32 to vector<256x128xi32>
    %add3A_78 = arith.addi %iota3A_75, %add3A_77 : vector<256x128xi32>
    %lt3A_79 = arith.cmpf olt, %sub3A_74, %select_n3A_63 : vector<256x128xf32>
    %select_n3A_80 = arith.select %lt3A_79, %add3A_78, %select_n3A_62 : vector<256x128xi1>, vector<256x128xi32>
    %select_n3A_81 = arith.select %lt3A_79, %sub3A_74, %select_n3A_63 : vector<256x128xi1>, vector<256x128xf32>
    %get3A_82 = arith.constant 0 : index
    %get3A_83 = arith.constant 512 : index
    %get3A_84 = vector.load %arg4[%get3A_82, %get3A_83] : memref<1x8192xf32, #tpu.memory_space<vmem>>, vector<1x128xf32>
    %add3A_85 = vector.broadcast %get3A_4 : vector<256x1xf32> to vector<256x128xf32>
    %add3A_86 = vector.broadcast %get3A_84 : vector<1x128xf32> to vector<256x128xf32>
    %add3A_87 = arith.addf %add3A_85, %add3A_86 : vector<256x128xf32>
    %slice3A_88 = vector.extract_strided_slice %dot_general3A_16 {offsets = [0, 512], sizes = [256, 128], strides = [1, 1]} : vector<256x1024xf32> to vector<256x128xf32>
    %mul3A_89 = arith.constant 2.000000e+00 : f32
    %mul3A_90 = vector.broadcast %mul3A_89 : f32 to vector<256x128xf32>
    %mul3A_91 = arith.mulf %mul3A_90, %slice3A_88 : vector<256x128xf32>
    %sub3A_92 = arith.subf %add3A_87, %mul3A_91 : vector<256x128xf32>
    %iota3A_93 = tpu.iota {dimensions = array<i32: 1>} : vector<256x128xi32>
    %add3A_94 = arith.constant 512 : i32
    %add3A_95 = vector.broadcast %add3A_94 : i32 to vector<256x128xi32>
    %add3A_96 = arith.addi %iota3A_93, %add3A_95 : vector<256x128xi32>
    %lt3A_97 = arith.cmpf olt, %sub3A_92, %select_n3A_81 : vector<256x128xf32>
    %select_n3A_98 = arith.select %lt3A_97, %add3A_96, %select_n3A_80 : vector<256x128xi1>, vector<256x128xi32>
    %select_n3A_99 = arith.select %lt3A_97, %sub3A_92, %select_n3A_81 : vector<256x128xi1>, vector<256x128xf32>
    %get3A_100 = arith.constant 0 : index
    %get3A_101 = arith.constant 640 : index
    %get3A_102 = vector.load %arg4[%get3A_100, %get3A_101] : memref<1x8192xf32, #tpu.memory_space<vmem>>, vector<1x128xf32>
    %add3A_103 = vector.broadcast %get3A_4 : vector<256x1xf32> to vector<256x128xf32>
    %add3A_104 = vector.broadcast %get3A_102 : vector<1x128xf32> to vector<256x128xf32>
    %add3A_105 = arith.addf %add3A_103, %add3A_104 : vector<256x128xf32>
    %slice3A_106 = vector.extract_strided_slice %dot_general3A_16 {offsets = [0, 640], sizes = [256, 128], strides = [1, 1]} : vector<256x1024xf32> to vector<256x128xf32>
    %mul3A_107 = arith.constant 2.000000e+00 : f32
    %mul3A_108 = vector.broadcast %mul3A_107 : f32 to vector<256x128xf32>
    %mul3A_109 = arith.mulf %mul3A_108, %slice3A_106 : vector<256x128xf32>
    %sub3A_110 = arith.subf %add3A_105, %mul3A_109 : vector<256x128xf32>
    %iota3A_111 = tpu.iota {dimensions = array<i32: 1>} : vector<256x128xi32>
    %add3A_112 = arith.constant 640 : i32
    %add3A_113 = vector.broadcast %add3A_112 : i32 to vector<256x128xi32>
    %add3A_114 = arith.addi %iota3A_111, %add3A_113 : vector<256x128xi32>
    %lt3A_115 = arith.cmpf olt, %sub3A_110, %select_n3A_99 : vector<256x128xf32>
    %select_n3A_116 = arith.select %lt3A_115, %add3A_114, %select_n3A_98 : vector<256x128xi1>, vector<256x128xi32>
    %select_n3A_117 = arith.select %lt3A_115, %sub3A_110, %select_n3A_99 : vector<256x128xi1>, vector<256x128xf32>
    %get3A_118 = arith.constant 0 : index
    %get3A_119 = arith.constant 768 : index
    %get3A_120 = vector.load %arg4[%get3A_118, %get3A_119] : memref<1x8192xf32, #tpu.memory_space<vmem>>, vector<1x128xf32>
    %add3A_121 = vector.broadcast %get3A_4 : vector<256x1xf32> to vector<256x128xf32>
    %add3A_122 = vector.broadcast %get3A_120 : vector<1x128xf32> to vector<256x128xf32>
    %add3A_123 = arith.addf %add3A_121, %add3A_122 : vector<256x128xf32>
    %slice3A_124 = vector.extract_strided_slice %dot_general3A_16 {offsets = [0, 768], sizes = [256, 128], strides = [1, 1]} : vector<256x1024xf32> to vector<256x128xf32>
    %mul3A_125 = arith.constant 2.000000e+00 : f32
    %mul3A_126 = vector.broadcast %mul3A_125 : f32 to vector<256x128xf32>
    %mul3A_127 = arith.mulf %mul3A_126, %slice3A_124 : vector<256x128xf32>
    %sub3A_128 = arith.subf %add3A_123, %mul3A_127 : vector<256x128xf32>
    %iota3A_129 = tpu.iota {dimensions = array<i32: 1>} : vector<256x128xi32>
    %add3A_130 = arith.constant 768 : i32
    %add3A_131 = vector.broadcast %add3A_130 : i32 to vector<256x128xi32>
    %add3A_132 = arith.addi %iota3A_129, %add3A_131 : vector<256x128xi32>
    %lt3A_133 = arith.cmpf olt, %sub3A_128, %select_n3A_117 : vector<256x128xf32>
    %select_n3A_134 = arith.select %lt3A_133, %add3A_132, %select_n3A_116 : vector<256x128xi1>, vector<256x128xi32>
    %select_n3A_135 = arith.select %lt3A_133, %sub3A_128, %select_n3A_117 : vector<256x128xi1>, vector<256x128xf32>
    %get3A_136 = arith.constant 0 : index
    %get3A_137 = arith.constant 896 : index
    %get3A_138 = vector.load %arg4[%get3A_136, %get3A_137] : memref<1x8192xf32, #tpu.memory_space<vmem>>, vector<1x128xf32>
    %add3A_139 = vector.broadcast %get3A_4 : vector<256x1xf32> to vector<256x128xf32>
    %add3A_140 = vector.broadcast %get3A_138 : vector<1x128xf32> to vector<256x128xf32>
    %add3A_141 = arith.addf %add3A_139, %add3A_140 : vector<256x128xf32>
    %slice3A_142 = vector.extract_strided_slice %dot_general3A_16 {offsets = [0, 896], sizes = [256, 128], strides = [1, 1]} : vector<256x1024xf32> to vector<256x128xf32>
    %mul3A_143 = arith.constant 2.000000e+00 : f32
    %mul3A_144 = vector.broadcast %mul3A_143 : f32 to vector<256x128xf32>
    %mul3A_145 = arith.mulf %mul3A_144, %slice3A_142 : vector<256x128xf32>
    %sub3A_146 = arith.subf %add3A_141, %mul3A_145 : vector<256x128xf32>
    %iota3A_147 = tpu.iota {dimensions = array<i32: 1>} : vector<256x128xi32>
    %add3A_148 = arith.constant 896 : i32
    %add3A_149 = vector.broadcast %add3A_148 : i32 to vector<256x128xi32>
    %add3A_150 = arith.addi %iota3A_147, %add3A_149 : vector<256x128xi32>
    %lt3A_151 = arith.cmpf olt, %sub3A_146, %select_n3A_135 : vector<256x128xf32>
    %select_n3A_152 = arith.select %lt3A_151, %add3A_150, %select_n3A_134 : vector<256x128xi1>, vector<256x128xi32>
    %select_n3A_153 = arith.select %lt3A_151, %sub3A_146, %select_n3A_135 : vector<256x128xi1>, vector<256x128xf32>
    %get3A_154 = arith.constant 1024 : index
    %get3A_155 = arith.constant 0 : index
    %get3A_156 = vector.load %arg2[%get3A_154, %get3A_155] : memref<8192x256xf32, #tpu.memory_space<vmem>>, vector<1024x256xf32>
    %convert_element_type3A_157 = arith.truncf %get3A_156 : vector<1024x256xf32> to vector<1024x256xbf16>
    %dot_general3A_158 = arith.constant dense<0.000000e+00> : vector<256x1024xf32>
    %dot_general3A_159 = tpu.matmul %convert_element_type3A, %convert_element_type3A_157, %dot_general3A_158 {dimension_numbers = #tpu.dot_dimension_numbers<[1], [1], [0], [0], [0, 0, 1, 0], [], []>, transpose_lhs_hint = false} : vector<256x256xbf16>, vector<1024x256xbf16>, vector<256x1024xf32> -> vector<256x1024xf32>
    %get3A_160 = arith.constant 0 : index
    %get3A_161 = arith.constant 1024 : index
    %get3A_162 = vector.load %arg4[%get3A_160, %get3A_161] : memref<1x8192xf32, #tpu.memory_space<vmem>>, vector<1x128xf32>
    %add3A_163 = vector.broadcast %get3A_4 : vector<256x1xf32> to vector<256x128xf32>
    %add3A_164 = vector.broadcast %get3A_162 : vector<1x128xf32> to vector<256x128xf32>
    %add3A_165 = arith.addf %add3A_163, %add3A_164 : vector<256x128xf32>
    %slice3A_166 = vector.extract_strided_slice %dot_general3A_159 {offsets = [0, 0], sizes = [256, 128], strides = [1, 1]} : vector<256x1024xf32> to vector<256x128xf32>
    %mul3A_167 = arith.constant 2.000000e+00 : f32
    %mul3A_168 = vector.broadcast %mul3A_167 : f32 to vector<256x128xf32>
    %mul3A_169 = arith.mulf %mul3A_168, %slice3A_166 : vector<256x128xf32>
    %sub3A_170 = arith.subf %add3A_165, %mul3A_169 : vector<256x128xf32>
    %iota3A_171 = tpu.iota {dimensions = array<i32: 1>} : vector<256x128xi32>
    %add3A_172 = arith.constant 1024 : i32
    %add3A_173 = vector.broadcast %add3A_172 : i32 to vector<256x128xi32>
    %add3A_174 = arith.addi %iota3A_171, %add3A_173 : vector<256x128xi32>
    %lt3A_175 = arith.cmpf olt, %sub3A_170, %select_n3A_153 : vector<256x128xf32>
    %select_n3A_176 = arith.select %lt3A_175, %add3A_174, %select_n3A_152 : vector<256x128xi1>, vector<256x128xi32>
    %select_n3A_177 = arith.select %lt3A_175, %sub3A_170, %select_n3A_153 : vector<256x128xi1>, vector<256x128xf32>
    %get3A_178 = arith.constant 0 : index
    %get3A_179 = arith.constant 1152 : index
    %get3A_180 = vector.load %arg4[%get3A_178, %get3A_179] : memref<1x8192xf32, #tpu.memory_space<vmem>>, vector<1x128xf32>
    %add3A_181 = vector.broadcast %get3A_4 : vector<256x1xf32> to vector<256x128xf32>
    %add3A_182 = vector.broadcast %get3A_180 : vector<1x128xf32> to vector<256x128xf32>
    %add3A_183 = arith.addf %add3A_181, %add3A_182 : vector<256x128xf32>
    %slice3A_184 = vector.extract_strided_slice %dot_general3A_159 {offsets = [0, 128], sizes = [256, 128], strides = [1, 1]} : vector<256x1024xf32> to vector<256x128xf32>
    %mul3A_185 = arith.constant 2.000000e+00 : f32
    %mul3A_186 = vector.broadcast %mul3A_185 : f32 to vector<256x128xf32>
    %mul3A_187 = arith.mulf %mul3A_186, %slice3A_184 : vector<256x128xf32>
    %sub3A_188 = arith.subf %add3A_183, %mul3A_187 : vector<256x128xf32>
    %iota3A_189 = tpu.iota {dimensions = array<i32: 1>} : vector<256x128xi32>
    %add3A_190 = arith.constant 1152 : i32
    %add3A_191 = vector.broadcast %add3A_190 : i32 to vector<256x128xi32>
    %add3A_192 = arith.addi %iota3A_189, %add3A_191 : vector<256x128xi32>
    %lt3A_193 = arith.cmpf olt, %sub3A_188, %select_n3A_177 : vector<256x128xf32>
    %select_n3A_194 = arith.select %lt3A_193, %add3A_192, %select_n3A_176 : vector<256x128xi1>, vector<256x128xi32>
    %select_n3A_195 = arith.select %lt3A_193, %sub3A_188, %select_n3A_177 : vector<256x128xi1>, vector<256x128xf32>
    %get3A_196 = arith.constant 0 : index
    %get3A_197 = arith.constant 1280 : index
    %get3A_198 = vector.load %arg4[%get3A_196, %get3A_197] : memref<1x8192xf32, #tpu.memory_space<vmem>>, vector<1x128xf32>
    %add3A_199 = vector.broadcast %get3A_4 : vector<256x1xf32> to vector<256x128xf32>
    %add3A_200 = vector.broadcast %get3A_198 : vector<1x128xf32> to vector<256x128xf32>
    %add3A_201 = arith.addf %add3A_199, %add3A_200 : vector<256x128xf32>
    %slice3A_202 = vector.extract_strided_slice %dot_general3A_159 {offsets = [0, 256], sizes = [256, 128], strides = [1, 1]} : vector<256x1024xf32> to vector<256x128xf32>
    %mul3A_203 = arith.constant 2.000000e+00 : f32
    %mul3A_204 = vector.broadcast %mul3A_203 : f32 to vector<256x128xf32>
    %mul3A_205 = arith.mulf %mul3A_204, %slice3A_202 : vector<256x128xf32>
    %sub3A_206 = arith.subf %add3A_201, %mul3A_205 : vector<256x128xf32>
    %iota3A_207 = tpu.iota {dimensions = array<i32: 1>} : vector<256x128xi32>
    %add3A_208 = arith.constant 1280 : i32
    %add3A_209 = vector.broadcast %add3A_208 : i32 to vector<256x128xi32>
    %add3A_210 = arith.addi %iota3A_207, %add3A_209 : vector<256x128xi32>
    %lt3A_211 = arith.cmpf olt, %sub3A_206, %select_n3A_195 : vector<256x128xf32>
    %select_n3A_212 = arith.select %lt3A_211, %add3A_210, %select_n3A_194 : vector<256x128xi1>, vector<256x128xi32>
    %select_n3A_213 = arith.select %lt3A_211, %sub3A_206, %select_n3A_195 : vector<256x128xi1>, vector<256x128xf32>
    %get3A_214 = arith.constant 0 : index
    %get3A_215 = arith.constant 1408 : index
    %get3A_216 = vector.load %arg4[%get3A_214, %get3A_215] : memref<1x8192xf32, #tpu.memory_space<vmem>>, vector<1x128xf32>
    %add3A_217 = vector.broadcast %get3A_4 : vector<256x1xf32> to vector<256x128xf32>
    %add3A_218 = vector.broadcast %get3A_216 : vector<1x128xf32> to vector<256x128xf32>
    %add3A_219 = arith.addf %add3A_217, %add3A_218 : vector<256x128xf32>
    %slice3A_220 = vector.extract_strided_slice %dot_general3A_159 {offsets = [0, 384], sizes = [256, 128], strides = [1, 1]} : vector<256x1024xf32> to vector<256x128xf32>
    %mul3A_221 = arith.constant 2.000000e+00 : f32
    %mul3A_222 = vector.broadcast %mul3A_221 : f32 to vector<256x128xf32>
    %mul3A_223 = arith.mulf %mul3A_222, %slice3A_220 : vector<256x128xf32>
    %sub3A_224 = arith.subf %add3A_219, %mul3A_223 : vector<256x128xf32>
    %iota3A_225 = tpu.iota {dimensions = array<i32: 1>} : vector<256x128xi32>
    %add3A_226 = arith.constant 1408 : i32
    %add3A_227 = vector.broadcast %add3A_226 : i32 to vector<256x128xi32>
    %add3A_228 = arith.addi %iota3A_225, %add3A_227 : vector<256x128xi32>
    %lt3A_229 = arith.cmpf olt, %sub3A_224, %select_n3A_213 : vector<256x128xf32>
    %select_n3A_230 = arith.select %lt3A_229, %add3A_228, %select_n3A_212 : vector<256x128xi1>, vector<256x128xi32>
    %select_n3A_231 = arith.select %lt3A_229, %sub3A_224, %select_n3A_213 : vector<256x128xi1>, vector<256x128xf32>
    %get3A_232 = arith.constant 0 : index
    %get3A_233 = arith.constant 1536 : index
    %get3A_234 = vector.load %arg4[%get3A_232, %get3A_233] : memref<1x8192xf32, #tpu.memory_space<vmem>>, vector<1x128xf32>
    %add3A_235 = vector.broadcast %get3A_4 : vector<256x1xf32> to vector<256x128xf32>
    %add3A_236 = vector.broadcast %get3A_234 : vector<1x128xf32> to vector<256x128xf32>
    %add3A_237 = arith.addf %add3A_235, %add3A_236 : vector<256x128xf32>
    %slice3A_238 = vector.extract_strided_slice %dot_general3A_159 {offsets = [0, 512], sizes = [256, 128], strides = [1, 1]} : vector<256x1024xf32> to vector<256x128xf32>
    %mul3A_239 = arith.constant 2.000000e+00 : f32
    %mul3A_240 = vector.broadcast %mul3A_239 : f32 to vector<256x128xf32>
    %mul3A_241 = arith.mulf %mul3A_240, %slice3A_238 : vector<256x128xf32>
    %sub3A_242 = arith.subf %add3A_237, %mul3A_241 : vector<256x128xf32>
    %iota3A_243 = tpu.iota {dimensions = array<i32: 1>} : vector<256x128xi32>
    %add3A_244 = arith.constant 1536 : i32
    %add3A_245 = vector.broadcast %add3A_244 : i32 to vector<256x128xi32>
    %add3A_246 = arith.addi %iota3A_243, %add3A_245 : vector<256x128xi32>
    %lt3A_247 = arith.cmpf olt, %sub3A_242, %select_n3A_231 : vector<256x128xf32>
    %select_n3A_248 = arith.select %lt3A_247, %add3A_246, %select_n3A_230 : vector<256x128xi1>, vector<256x128xi32>
    %select_n3A_249 = arith.select %lt3A_247, %sub3A_242, %select_n3A_231 : vector<256x128xi1>, vector<256x128xf32>
    %get3A_250 = arith.constant 0 : index
    %get3A_251 = arith.constant 1664 : index
    %get3A_252 = vector.load %arg4[%get3A_250, %get3A_251] : memref<1x8192xf32, #tpu.memory_space<vmem>>, vector<1x128xf32>
    %add3A_253 = vector.broadcast %get3A_4 : vector<256x1xf32> to vector<256x128xf32>
    %add3A_254 = vector.broadcast %get3A_252 : vector<1x128xf32> to vector<256x128xf32>
    %add3A_255 = arith.addf %add3A_253, %add3A_254 : vector<256x128xf32>
    %slice3A_256 = vector.extract_strided_slice %dot_general3A_159 {offsets = [0, 640], sizes = [256, 128], strides = [1, 1]} : vector<256x1024xf32> to vector<256x128xf32>
    %mul3A_257 = arith.constant 2.000000e+00 : f32
    %mul3A_258 = vector.broadcast %mul3A_257 : f32 to vector<256x128xf32>
    %mul3A_259 = arith.mulf %mul3A_258, %slice3A_256 : vector<256x128xf32>
    %sub3A_260 = arith.subf %add3A_255, %mul3A_259 : vector<256x128xf32>
    %iota3A_261 = tpu.iota {dimensions = array<i32: 1>} : vector<256x128xi32>
    %add3A_262 = arith.constant 1664 : i32
    %add3A_263 = vector.broadcast %add3A_262 : i32 to vector<256x128xi32>
    %add3A_264 = arith.addi %iota3A_261, %add3A_263 : vector<256x128xi32>
    %lt3A_265 = arith.cmpf olt, %sub3A_260, %select_n3A_249 : vector<256x128xf32>
    %select_n3A_266 = arith.select %lt3A_265, %add3A_264, %select_n3A_248 : vector<256x128xi1>, vector<256x128xi32>
    %select_n3A_267 = arith.select %lt3A_265, %sub3A_260, %select_n3A_249 : vector<256x128xi1>, vector<256x128xf32>
    %get3A_268 = arith.constant 0 : index
    %get3A_269 = arith.constant 1792 : index
    %get3A_270 = vector.load %arg4[%get3A_268, %get3A_269] : memref<1x8192xf32, #tpu.memory_space<vmem>>, vector<1x128xf32>
    %add3A_271 = vector.broadcast %get3A_4 : vector<256x1xf32> to vector<256x128xf32>
    %add3A_272 = vector.broadcast %get3A_270 : vector<1x128xf32> to vector<256x128xf32>
    %add3A_273 = arith.addf %add3A_271, %add3A_272 : vector<256x128xf32>
    %slice3A_274 = vector.extract_strided_slice %dot_general3A_159 {offsets = [0, 768], sizes = [256, 128], strides = [1, 1]} : vector<256x1024xf32> to vector<256x128xf32>
    %mul3A_275 = arith.constant 2.000000e+00 : f32
    %mul3A_276 = vector.broadcast %mul3A_275 : f32 to vector<256x128xf32>
    %mul3A_277 = arith.mulf %mul3A_276, %slice3A_274 : vector<256x128xf32>
    %sub3A_278 = arith.subf %add3A_273, %mul3A_277 : vector<256x128xf32>
    %iota3A_279 = tpu.iota {dimensions = array<i32: 1>} : vector<256x128xi32>
    %add3A_280 = arith.constant 1792 : i32
    %add3A_281 = vector.broadcast %add3A_280 : i32 to vector<256x128xi32>
    %add3A_282 = arith.addi %iota3A_279, %add3A_281 : vector<256x128xi32>
    %lt3A_283 = arith.cmpf olt, %sub3A_278, %select_n3A_267 : vector<256x128xf32>
    %select_n3A_284 = arith.select %lt3A_283, %add3A_282, %select_n3A_266 : vector<256x128xi1>, vector<256x128xi32>
    %select_n3A_285 = arith.select %lt3A_283, %sub3A_278, %select_n3A_267 : vector<256x128xi1>, vector<256x128xf32>
    %get3A_286 = arith.constant 0 : index
    %get3A_287 = arith.constant 1920 : index
    %get3A_288 = vector.load %arg4[%get3A_286, %get3A_287] : memref<1x8192xf32, #tpu.memory_space<vmem>>, vector<1x128xf32>
    %add3A_289 = vector.broadcast %get3A_4 : vector<256x1xf32> to vector<256x128xf32>
    %add3A_290 = vector.broadcast %get3A_288 : vector<1x128xf32> to vector<256x128xf32>
    %add3A_291 = arith.addf %add3A_289, %add3A_290 : vector<256x128xf32>
    %slice3A_292 = vector.extract_strided_slice %dot_general3A_159 {offsets = [0, 896], sizes = [256, 128], strides = [1, 1]} : vector<256x1024xf32> to vector<256x128xf32>
    %mul3A_293 = arith.constant 2.000000e+00 : f32
    %mul3A_294 = vector.broadcast %mul3A_293 : f32 to vector<256x128xf32>
    %mul3A_295 = arith.mulf %mul3A_294, %slice3A_292 : vector<256x128xf32>
    %sub3A_296 = arith.subf %add3A_291, %mul3A_295 : vector<256x128xf32>
    %iota3A_297 = tpu.iota {dimensions = array<i32: 1>} : vector<256x128xi32>
    %add3A_298 = arith.constant 1920 : i32
    %add3A_299 = vector.broadcast %add3A_298 : i32 to vector<256x128xi32>
    %add3A_300 = arith.addi %iota3A_297, %add3A_299 : vector<256x128xi32>
    %lt3A_301 = arith.cmpf olt, %sub3A_296, %select_n3A_285 : vector<256x128xf32>
    %select_n3A_302 = arith.select %lt3A_301, %add3A_300, %select_n3A_284 : vector<256x128xi1>, vector<256x128xi32>
    %select_n3A_303 = arith.select %lt3A_301, %sub3A_296, %select_n3A_285 : vector<256x128xi1>, vector<256x128xf32>
    %get3A_304 = arith.constant 2048 : index
    %get3A_305 = arith.constant 0 : index
    %get3A_306 = vector.load %arg2[%get3A_304, %get3A_305] : memref<8192x256xf32, #tpu.memory_space<vmem>>, vector<1024x256xf32>
    %convert_element_type3A_307 = arith.truncf %get3A_306 : vector<1024x256xf32> to vector<1024x256xbf16>
    %dot_general3A_308 = arith.constant dense<0.000000e+00> : vector<256x1024xf32>
    %dot_general3A_309 = tpu.matmul %convert_element_type3A, %convert_element_type3A_307, %dot_general3A_308 {dimension_numbers = #tpu.dot_dimension_numbers<[1], [1], [0], [0], [0, 0, 1, 0], [], []>, transpose_lhs_hint = false} : vector<256x256xbf16>, vector<1024x256xbf16>, vector<256x1024xf32> -> vector<256x1024xf32>
    %get3A_310 = arith.constant 0 : index
    %get3A_311 = arith.constant 2048 : index
    %get3A_312 = vector.load %arg4[%get3A_310, %get3A_311] : memref<1x8192xf32, #tpu.memory_space<vmem>>, vector<1x128xf32>
    %add3A_313 = vector.broadcast %get3A_4 : vector<256x1xf32> to vector<256x128xf32>
    %add3A_314 = vector.broadcast %get3A_312 : vector<1x128xf32> to vector<256x128xf32>
    %add3A_315 = arith.addf %add3A_313, %add3A_314 : vector<256x128xf32>
    %slice3A_316 = vector.extract_strided_slice %dot_general3A_309 {offsets = [0, 0], sizes = [256, 128], strides = [1, 1]} : vector<256x1024xf32> to vector<256x128xf32>
    %mul3A_317 = arith.constant 2.000000e+00 : f32
    %mul3A_318 = vector.broadcast %mul3A_317 : f32 to vector<256x128xf32>
    %mul3A_319 = arith.mulf %mul3A_318, %slice3A_316 : vector<256x128xf32>
    %sub3A_320 = arith.subf %add3A_315, %mul3A_319 : vector<256x128xf32>
    %iota3A_321 = tpu.iota {dimensions = array<i32: 1>} : vector<256x128xi32>
    %add3A_322 = arith.constant 2048 : i32
    %add3A_323 = vector.broadcast %add3A_322 : i32 to vector<256x128xi32>
    %add3A_324 = arith.addi %iota3A_321, %add3A_323 : vector<256x128xi32>
    %lt3A_325 = arith.cmpf olt, %sub3A_320, %select_n3A_303 : vector<256x128xf32>
    %select_n3A_326 = arith.select %lt3A_325, %add3A_324, %select_n3A_302 : vector<256x128xi1>, vector<256x128xi32>
    %select_n3A_327 = arith.select %lt3A_325, %sub3A_320, %select_n3A_303 : vector<256x128xi1>, vector<256x128xf32>
    %get3A_328 = arith.constant 0 : index
    %get3A_329 = arith.constant 2176 : index
    %get3A_330 = vector.load %arg4[%get3A_328, %get3A_329] : memref<1x8192xf32, #tpu.memory_space<vmem>>, vector<1x128xf32>
    %add3A_331 = vector.broadcast %get3A_4 : vector<256x1xf32> to vector<256x128xf32>
    %add3A_332 = vector.broadcast %get3A_330 : vector<1x128xf32> to vector<256x128xf32>
    %add3A_333 = arith.addf %add3A_331, %add3A_332 : vector<256x128xf32>
    %slice3A_334 = vector.extract_strided_slice %dot_general3A_309 {offsets = [0, 128], sizes = [256, 128], strides = [1, 1]} : vector<256x1024xf32> to vector<256x128xf32>
    %mul3A_335 = arith.constant 2.000000e+00 : f32
    %mul3A_336 = vector.broadcast %mul3A_335 : f32 to vector<256x128xf32>
    %mul3A_337 = arith.mulf %mul3A_336, %slice3A_334 : vector<256x128xf32>
    %sub3A_338 = arith.subf %add3A_333, %mul3A_337 : vector<256x128xf32>
    %iota3A_339 = tpu.iota {dimensions = array<i32: 1>} : vector<256x128xi32>
    %add3A_340 = arith.constant 2176 : i32
    %add3A_341 = vector.broadcast %add3A_340 : i32 to vector<256x128xi32>
    %add3A_342 = arith.addi %iota3A_339, %add3A_341 : vector<256x128xi32>
    %lt3A_343 = arith.cmpf olt, %sub3A_338, %select_n3A_327 : vector<256x128xf32>
    %select_n3A_344 = arith.select %lt3A_343, %add3A_342, %select_n3A_326 : vector<256x128xi1>, vector<256x128xi32>
    %select_n3A_345 = arith.select %lt3A_343, %sub3A_338, %select_n3A_327 : vector<256x128xi1>, vector<256x128xf32>
    %get3A_346 = arith.constant 0 : index
    %get3A_347 = arith.constant 2304 : index
    %get3A_348 = vector.load %arg4[%get3A_346, %get3A_347] : memref<1x8192xf32, #tpu.memory_space<vmem>>, vector<1x128xf32>
    %add3A_349 = vector.broadcast %get3A_4 : vector<256x1xf32> to vector<256x128xf32>
    %add3A_350 = vector.broadcast %get3A_348 : vector<1x128xf32> to vector<256x128xf32>
    %add3A_351 = arith.addf %add3A_349, %add3A_350 : vector<256x128xf32>
    %slice3A_352 = vector.extract_strided_slice %dot_general3A_309 {offsets = [0, 256], sizes = [256, 128], strides = [1, 1]} : vector<256x1024xf32> to vector<256x128xf32>
    %mul3A_353 = arith.constant 2.000000e+00 : f32
    %mul3A_354 = vector.broadcast %mul3A_353 : f32 to vector<256x128xf32>
    %mul3A_355 = arith.mulf %mul3A_354, %slice3A_352 : vector<256x128xf32>
    %sub3A_356 = arith.subf %add3A_351, %mul3A_355 : vector<256x128xf32>
    %iota3A_357 = tpu.iota {dimensions = array<i32: 1>} : vector<256x128xi32>
    %add3A_358 = arith.constant 2304 : i32
    %add3A_359 = vector.broadcast %add3A_358 : i32 to vector<256x128xi32>
    %add3A_360 = arith.addi %iota3A_357, %add3A_359 : vector<256x128xi32>
    %lt3A_361 = arith.cmpf olt, %sub3A_356, %select_n3A_345 : vector<256x128xf32>
    %select_n3A_362 = arith.select %lt3A_361, %add3A_360, %select_n3A_344 : vector<256x128xi1>, vector<256x128xi32>
    %select_n3A_363 = arith.select %lt3A_361, %sub3A_356, %select_n3A_345 : vector<256x128xi1>, vector<256x128xf32>
    %get3A_364 = arith.constant 0 : index
    %get3A_365 = arith.constant 2432 : index
    %get3A_366 = vector.load %arg4[%get3A_364, %get3A_365] : memref<1x8192xf32, #tpu.memory_space<vmem>>, vector<1x128xf32>
    %add3A_367 = vector.broadcast %get3A_4 : vector<256x1xf32> to vector<256x128xf32>
    %add3A_368 = vector.broadcast %get3A_366 : vector<1x128xf32> to vector<256x128xf32>
    %add3A_369 = arith.addf %add3A_367, %add3A_368 : vector<256x128xf32>
    %slice3A_370 = vector.extract_strided_slice %dot_general3A_309 {offsets = [0, 384], sizes = [256, 128], strides = [1, 1]} : vector<256x1024xf32> to vector<256x128xf32>
    %mul3A_371 = arith.constant 2.000000e+00 : f32
    %mul3A_372 = vector.broadcast %mul3A_371 : f32 to vector<256x128xf32>
    %mul3A_373 = arith.mulf %mul3A_372, %slice3A_370 : vector<256x128xf32>
    %sub3A_374 = arith.subf %add3A_369, %mul3A_373 : vector<256x128xf32>
    %iota3A_375 = tpu.iota {dimensions = array<i32: 1>} : vector<256x128xi32>
    %add3A_376 = arith.constant 2432 : i32
    %add3A_377 = vector.broadcast %add3A_376 : i32 to vector<256x128xi32>
    %add3A_378 = arith.addi %iota3A_375, %add3A_377 : vector<256x128xi32>
    %lt3A_379 = arith.cmpf olt, %sub3A_374, %select_n3A_363 : vector<256x128xf32>
    %select_n3A_380 = arith.select %lt3A_379, %add3A_378, %select_n3A_362 : vector<256x128xi1>, vector<256x128xi32>
    %select_n3A_381 = arith.select %lt3A_379, %sub3A_374, %select_n3A_363 : vector<256x128xi1>, vector<256x128xf32>
    %get3A_382 = arith.constant 0 : index
    %get3A_383 = arith.constant 2560 : index
    %get3A_384 = vector.load %arg4[%get3A_382, %get3A_383] : memref<1x8192xf32, #tpu.memory_space<vmem>>, vector<1x128xf32>
    %add3A_385 = vector.broadcast %get3A_4 : vector<256x1xf32> to vector<256x128xf32>
    %add3A_386 = vector.broadcast %get3A_384 : vector<1x128xf32> to vector<256x128xf32>
    %add3A_387 = arith.addf %add3A_385, %add3A_386 : vector<256x128xf32>
    %slice3A_388 = vector.extract_strided_slice %dot_general3A_309 {offsets = [0, 512], sizes = [256, 128], strides = [1, 1]} : vector<256x1024xf32> to vector<256x128xf32>
    %mul3A_389 = arith.constant 2.000000e+00 : f32
    %mul3A_390 = vector.broadcast %mul3A_389 : f32 to vector<256x128xf32>
    %mul3A_391 = arith.mulf %mul3A_390, %slice3A_388 : vector<256x128xf32>
    %sub3A_392 = arith.subf %add3A_387, %mul3A_391 : vector<256x128xf32>
    %iota3A_393 = tpu.iota {dimensions = array<i32: 1>} : vector<256x128xi32>
    %add3A_394 = arith.constant 2560 : i32
    %add3A_395 = vector.broadcast %add3A_394 : i32 to vector<256x128xi32>
    %add3A_396 = arith.addi %iota3A_393, %add3A_395 : vector<256x128xi32>
    %lt3A_397 = arith.cmpf olt, %sub3A_392, %select_n3A_381 : vector<256x128xf32>
    %select_n3A_398 = arith.select %lt3A_397, %add3A_396, %select_n3A_380 : vector<256x128xi1>, vector<256x128xi32>
    %select_n3A_399 = arith.select %lt3A_397, %sub3A_392, %select_n3A_381 : vector<256x128xi1>, vector<256x128xf32>
    %get3A_400 = arith.constant 0 : index
    %get3A_401 = arith.constant 2688 : index
    %get3A_402 = vector.load %arg4[%get3A_400, %get3A_401] : memref<1x8192xf32, #tpu.memory_space<vmem>>, vector<1x128xf32>
    %add3A_403 = vector.broadcast %get3A_4 : vector<256x1xf32> to vector<256x128xf32>
    %add3A_404 = vector.broadcast %get3A_402 : vector<1x128xf32> to vector<256x128xf32>
    %add3A_405 = arith.addf %add3A_403, %add3A_404 : vector<256x128xf32>
    %slice3A_406 = vector.extract_strided_slice %dot_general3A_309 {offsets = [0, 640], sizes = [256, 128], strides = [1, 1]} : vector<256x1024xf32> to vector<256x128xf32>
    %mul3A_407 = arith.constant 2.000000e+00 : f32
    %mul3A_408 = vector.broadcast %mul3A_407 : f32 to vector<256x128xf32>
    %mul3A_409 = arith.mulf %mul3A_408, %slice3A_406 : vector<256x128xf32>
    %sub3A_410 = arith.subf %add3A_405, %mul3A_409 : vector<256x128xf32>
    %iota3A_411 = tpu.iota {dimensions = array<i32: 1>} : vector<256x128xi32>
    %add3A_412 = arith.constant 2688 : i32
    %add3A_413 = vector.broadcast %add3A_412 : i32 to vector<256x128xi32>
    %add3A_414 = arith.addi %iota3A_411, %add3A_413 : vector<256x128xi32>
    %iota3A_415 = tpu.iota {dimensions = array<i32: 1>} : vector<256x128xi32>
    %ge3A = arith.constant 0 : i32
    %ge3A_416 = vector.broadcast %ge3A : i32 to vector<256x128xi32>
    %ge3A_417 = arith.cmpi sge, %iota3A_415, %ge3A_416 : vector<256x128xi32>
    %lt3A_418 = arith.constant 48 : i32
    %lt3A_419 = vector.broadcast %lt3A_418 : i32 to vector<256x128xi32>
    %lt3A_420 = arith.cmpi slt, %iota3A_415, %lt3A_419 : vector<256x128xi32>
    %and3A = arith.andi %ge3A_417, %lt3A_420 : vector<256x128xi1>
    %jit3A = arith.constant 0x7F800000 : f32
    %broadcast_in_dim3A_421 = vector.broadcast %jit3A : f32 to vector<256x128xf32>
    %select_n3A_422 = arith.select %and3A, %sub3A_410, %broadcast_in_dim3A_421 : vector<256x128xi1>, vector<256x128xf32>
    %lt3A_423 = arith.cmpf olt, %select_n3A_422, %select_n3A_399 : vector<256x128xf32>
    %select_n3A_424 = arith.select %lt3A_423, %add3A_414, %select_n3A_398 : vector<256x128xi1>, vector<256x128xi32>
    %select_n3A_425 = arith.select %lt3A_423, %select_n3A_422, %select_n3A_399 : vector<256x128xi1>, vector<256x128xf32>
    %reduce_min3A = arith.constant dense<0x7F800000> : vector<256xf32>
    %reduce_min3A_426 = vector.multi_reduction <minimumf>, %select_n3A_425, %reduce_min3A [1] : vector<256x128xf32> to vector<256xf32>
    %broadcast_in_dim3A_427 = vector.shape_cast %reduce_min3A_426 : vector<256xf32> to vector<256x1xf32>
    %eq3A = vector.broadcast %broadcast_in_dim3A_427 : vector<256x1xf32> to vector<256x128xf32>
    %eq3A_428 = arith.cmpf oeq, %select_n3A_425, %eq3A : vector<256x128xf32>
    %jit3A_429 = arith.constant 2147483647 : i32
    %broadcast_in_dim3A_430 = vector.broadcast %jit3A_429 : i32 to vector<256x128xi32>
    %select_n3A_431 = arith.select %eq3A_428, %select_n3A_424, %broadcast_in_dim3A_430 : vector<256x128xi1>, vector<256x128xi32>
    %reduce_min3A_432 = arith.constant dense<2147483647> : vector<256xi32>
    %reduce_min3A_433 = vector.multi_reduction <minsi>, %select_n3A_431, %reduce_min3A_432 [1] : vector<256x128xi32> to vector<256xi32>
    %broadcast_in_dim3A_434 = vector.shape_cast %reduce_min3A_433 : vector<256xi32> to vector<256x1xi32>
    %lt3A_435 = arith.cmpf olt, %broadcast_in_dim3A_427, %broadcast_in_dim3A_5 : vector<256x1xf32>
    %select_n3A_436 = arith.select %lt3A_435, %broadcast_in_dim3A_427, %broadcast_in_dim3A_5 : vector<256x1xi1>, vector<256x1xf32>
    %select_n3A_437 = arith.select %lt3A_435, %broadcast_in_dim3A_434, %broadcast_in_dim3A_7 : vector<256x1xi1>, vector<256x1xi32>
    %convert_element_type3A_438 = arith.truncf %select_n3A_436 : vector<256x1xf32> to vector<256x1xbf16>
    %convert_element_type3A_439 = arith.extf %convert_element_type3A_438 : vector<256x1xbf16> to vector<256x1xf32>
    %broadcast_in_dim3A_440 = arith.constant 0x7F800000 : f32
    %broadcast_in_dim3A_441 = vector.broadcast %broadcast_in_dim3A_440 : f32 to vector<256x128xf32>
    %broadcast_in_dim3A_442 = arith.constant 0 : i32
    %broadcast_in_dim3A_443 = vector.broadcast %broadcast_in_dim3A_442 : i32 to vector<256x128xi32>
    %iota3A_444 = tpu.iota {dimensions = array<i32: 1>} : vector<256x128xi32>
    %ge3A_445 = arith.constant 48 : i32
    %ge3A_446 = vector.broadcast %ge3A_445 : i32 to vector<256x128xi32>
    %ge3A_447 = arith.cmpi sge, %iota3A_444, %ge3A_446 : vector<256x128xi32>
    %lt3A_448 = arith.constant 128 : i32
    %lt3A_449 = vector.broadcast %lt3A_448 : i32 to vector<256x128xi32>
    %lt3A_450 = arith.cmpi slt, %iota3A_444, %lt3A_449 : vector<256x128xi32>
    %and3A_451 = arith.andi %ge3A_447, %lt3A_450 : vector<256x128xi1>
    %jit3A_452 = arith.constant 0x7F800000 : f32
    %broadcast_in_dim3A_453 = vector.broadcast %jit3A_452 : f32 to vector<256x128xf32>
    %select_n3A_454 = arith.select %and3A_451, %sub3A_410, %broadcast_in_dim3A_453 : vector<256x128xi1>, vector<256x128xf32>
    %lt3A_455 = arith.cmpf olt, %select_n3A_454, %broadcast_in_dim3A_441 : vector<256x128xf32>
    %select_n3A_456 = arith.select %lt3A_455, %add3A_414, %broadcast_in_dim3A_443 : vector<256x128xi1>, vector<256x128xi32>
    %select_n3A_457 = arith.select %lt3A_455, %select_n3A_454, %broadcast_in_dim3A_441 : vector<256x128xi1>, vector<256x128xf32>
    %get3A_458 = arith.constant 0 : index
    %get3A_459 = arith.constant 2816 : index
    %get3A_460 = vector.load %arg4[%get3A_458, %get3A_459] : memref<1x8192xf32, #tpu.memory_space<vmem>>, vector<1x128xf32>
    %add3A_461 = vector.broadcast %get3A_4 : vector<256x1xf32> to vector<256x128xf32>
    %add3A_462 = vector.broadcast %get3A_460 : vector<1x128xf32> to vector<256x128xf32>
    %add3A_463 = arith.addf %add3A_461, %add3A_462 : vector<256x128xf32>
    %slice3A_464 = vector.extract_strided_slice %dot_general3A_309 {offsets = [0, 768], sizes = [256, 128], strides = [1, 1]} : vector<256x1024xf32> to vector<256x128xf32>
    %mul3A_465 = arith.constant 2.000000e+00 : f32
    %mul3A_466 = vector.broadcast %mul3A_465 : f32 to vector<256x128xf32>
    %mul3A_467 = arith.mulf %mul3A_466, %slice3A_464 : vector<256x128xf32>
    %sub3A_468 = arith.subf %add3A_463, %mul3A_467 : vector<256x128xf32>
    %iota3A_469 = tpu.iota {dimensions = array<i32: 1>} : vector<256x128xi32>
    %add3A_470 = arith.constant 2816 : i32
    %add3A_471 = vector.broadcast %add3A_470 : i32 to vector<256x128xi32>
    %add3A_472 = arith.addi %iota3A_469, %add3A_471 : vector<256x128xi32>
    %lt3A_473 = arith.cmpf olt, %sub3A_468, %select_n3A_457 : vector<256x128xf32>
    %select_n3A_474 = arith.select %lt3A_473, %add3A_472, %select_n3A_456 : vector<256x128xi1>, vector<256x128xi32>
    %select_n3A_475 = arith.select %lt3A_473, %sub3A_468, %select_n3A_457 : vector<256x128xi1>, vector<256x128xf32>
    %get3A_476 = arith.constant 0 : index
    %get3A_477 = arith.constant 2944 : index
    %get3A_478 = vector.load %arg4[%get3A_476, %get3A_477] : memref<1x8192xf32, #tpu.memory_space<vmem>>, vector<1x128xf32>
    %add3A_479 = vector.broadcast %get3A_4 : vector<256x1xf32> to vector<256x128xf32>
    %add3A_480 = vector.broadcast %get3A_478 : vector<1x128xf32> to vector<256x128xf32>
    %add3A_481 = arith.addf %add3A_479, %add3A_480 : vector<256x128xf32>
    %slice3A_482 = vector.extract_strided_slice %dot_general3A_309 {offsets = [0, 896], sizes = [256, 128], strides = [1, 1]} : vector<256x1024xf32> to vector<256x128xf32>
    %mul3A_483 = arith.constant 2.000000e+00 : f32
    %mul3A_484 = vector.broadcast %mul3A_483 : f32 to vector<256x128xf32>
    %mul3A_485 = arith.mulf %mul3A_484, %slice3A_482 : vector<256x128xf32>
    %sub3A_486 = arith.subf %add3A_481, %mul3A_485 : vector<256x128xf32>
    %iota3A_487 = tpu.iota {dimensions = array<i32: 1>} : vector<256x128xi32>
    %add3A_488 = arith.constant 2944 : i32
    %add3A_489 = vector.broadcast %add3A_488 : i32 to vector<256x128xi32>
    %add3A_490 = arith.addi %iota3A_487, %add3A_489 : vector<256x128xi32>
    %lt3A_491 = arith.cmpf olt, %sub3A_486, %select_n3A_475 : vector<256x128xf32>
    %select_n3A_492 = arith.select %lt3A_491, %add3A_490, %select_n3A_474 : vector<256x128xi1>, vector<256x128xi32>
    %select_n3A_493 = arith.select %lt3A_491, %sub3A_486, %select_n3A_475 : vector<256x128xi1>, vector<256x128xf32>
    %get3A_494 = arith.constant 3072 : index
    %get3A_495 = arith.constant 0 : index
    %get3A_496 = vector.load %arg2[%get3A_494, %get3A_495] : memref<8192x256xf32, #tpu.memory_space<vmem>>, vector<1024x256xf32>
    %convert_element_type3A_497 = arith.truncf %get3A_496 : vector<1024x256xf32> to vector<1024x256xbf16>
    %dot_general3A_498 = arith.constant dense<0.000000e+00> : vector<256x1024xf32>
    %dot_general3A_499 = tpu.matmul %convert_element_type3A, %convert_element_type3A_497, %dot_general3A_498 {dimension_numbers = #tpu.dot_dimension_numbers<[1], [1], [0], [0], [0, 0, 1, 0], [], []>, transpose_lhs_hint = false} : vector<256x256xbf16>, vector<1024x256xbf16>, vector<256x1024xf32> -> vector<256x1024xf32>
    %get3A_500 = arith.constant 0 : index
    %get3A_501 = arith.constant 3072 : index
    %get3A_502 = vector.load %arg4[%get3A_500, %get3A_501] : memref<1x8192xf32, #tpu.memory_space<vmem>>, vector<1x128xf32>
    %add3A_503 = vector.broadcast %get3A_4 : vector<256x1xf32> to vector<256x128xf32>
    %add3A_504 = vector.broadcast %get3A_502 : vector<1x128xf32> to vector<256x128xf32>
    %add3A_505 = arith.addf %add3A_503, %add3A_504 : vector<256x128xf32>
    %slice3A_506 = vector.extract_strided_slice %dot_general3A_499 {offsets = [0, 0], sizes = [256, 128], strides = [1, 1]} : vector<256x1024xf32> to vector<256x128xf32>
    %mul3A_507 = arith.constant 2.000000e+00 : f32
    %mul3A_508 = vector.broadcast %mul3A_507 : f32 to vector<256x128xf32>
    %mul3A_509 = arith.mulf %mul3A_508, %slice3A_506 : vector<256x128xf32>
    %sub3A_510 = arith.subf %add3A_505, %mul3A_509 : vector<256x128xf32>
    %iota3A_511 = tpu.iota {dimensions = array<i32: 1>} : vector<256x128xi32>
    %add3A_512 = arith.constant 3072 : i32
    %add3A_513 = vector.broadcast %add3A_512 : i32 to vector<256x128xi32>
    %add3A_514 = arith.addi %iota3A_511, %add3A_513 : vector<256x128xi32>
    %lt3A_515 = arith.cmpf olt, %sub3A_510, %select_n3A_493 : vector<256x128xf32>
    %select_n3A_516 = arith.select %lt3A_515, %add3A_514, %select_n3A_492 : vector<256x128xi1>, vector<256x128xi32>
    %select_n3A_517 = arith.select %lt3A_515, %sub3A_510, %select_n3A_493 : vector<256x128xi1>, vector<256x128xf32>
    %get3A_518 = arith.constant 0 : index
    %get3A_519 = arith.constant 3200 : index
    %get3A_520 = vector.load %arg4[%get3A_518, %get3A_519] : memref<1x8192xf32, #tpu.memory_space<vmem>>, vector<1x128xf32>
    %add3A_521 = vector.broadcast %get3A_4 : vector<256x1xf32> to vector<256x128xf32>
    %add3A_522 = vector.broadcast %get3A_520 : vector<1x128xf32> to vector<256x128xf32>
    %add3A_523 = arith.addf %add3A_521, %add3A_522 : vector<256x128xf32>
    %slice3A_524 = vector.extract_strided_slice %dot_general3A_499 {offsets = [0, 128], sizes = [256, 128], strides = [1, 1]} : vector<256x1024xf32> to vector<256x128xf32>
    %mul3A_525 = arith.constant 2.000000e+00 : f32
    %mul3A_526 = vector.broadcast %mul3A_525 : f32 to vector<256x128xf32>
    %mul3A_527 = arith.mulf %mul3A_526, %slice3A_524 : vector<256x128xf32>
    %sub3A_528 = arith.subf %add3A_523, %mul3A_527 : vector<256x128xf32>
    %iota3A_529 = tpu.iota {dimensions = array<i32: 1>} : vector<256x128xi32>
    %add3A_530 = arith.constant 3200 : i32
    %add3A_531 = vector.broadcast %add3A_530 : i32 to vector<256x128xi32>
    %add3A_532 = arith.addi %iota3A_529, %add3A_531 : vector<256x128xi32>
    %lt3A_533 = arith.cmpf olt, %sub3A_528, %select_n3A_517 : vector<256x128xf32>
    %select_n3A_534 = arith.select %lt3A_533, %add3A_532, %select_n3A_516 : vector<256x128xi1>, vector<256x128xi32>
    %select_n3A_535 = arith.select %lt3A_533, %sub3A_528, %select_n3A_517 : vector<256x128xi1>, vector<256x128xf32>
    %get3A_536 = arith.constant 0 : index
    %get3A_537 = arith.constant 3328 : index
    %get3A_538 = vector.load %arg4[%get3A_536, %get3A_537] : memref<1x8192xf32, #tpu.memory_space<vmem>>, vector<1x128xf32>
    %add3A_539 = vector.broadcast %get3A_4 : vector<256x1xf32> to vector<256x128xf32>
    %add3A_540 = vector.broadcast %get3A_538 : vector<1x128xf32> to vector<256x128xf32>
    %add3A_541 = arith.addf %add3A_539, %add3A_540 : vector<256x128xf32>
    %slice3A_542 = vector.extract_strided_slice %dot_general3A_499 {offsets = [0, 256], sizes = [256, 128], strides = [1, 1]} : vector<256x1024xf32> to vector<256x128xf32>
    %mul3A_543 = arith.constant 2.000000e+00 : f32
    %mul3A_544 = vector.broadcast %mul3A_543 : f32 to vector<256x128xf32>
    %mul3A_545 = arith.mulf %mul3A_544, %slice3A_542 : vector<256x128xf32>
    %sub3A_546 = arith.subf %add3A_541, %mul3A_545 : vector<256x128xf32>
    %iota3A_547 = tpu.iota {dimensions = array<i32: 1>} : vector<256x128xi32>
    %add3A_548 = arith.constant 3328 : i32
    %add3A_549 = vector.broadcast %add3A_548 : i32 to vector<256x128xi32>
    %add3A_550 = arith.addi %iota3A_547, %add3A_549 : vector<256x128xi32>
    %lt3A_551 = arith.cmpf olt, %sub3A_546, %select_n3A_535 : vector<256x128xf32>
    %select_n3A_552 = arith.select %lt3A_551, %add3A_550, %select_n3A_534 : vector<256x128xi1>, vector<256x128xi32>
    %select_n3A_553 = arith.select %lt3A_551, %sub3A_546, %select_n3A_535 : vector<256x128xi1>, vector<256x128xf32>
    %get3A_554 = arith.constant 0 : index
    %get3A_555 = arith.constant 3456 : index
    %get3A_556 = vector.load %arg4[%get3A_554, %get3A_555] : memref<1x8192xf32, #tpu.memory_space<vmem>>, vector<1x128xf32>
    %add3A_557 = vector.broadcast %get3A_4 : vector<256x1xf32> to vector<256x128xf32>
    %add3A_558 = vector.broadcast %get3A_556 : vector<1x128xf32> to vector<256x128xf32>
    %add3A_559 = arith.addf %add3A_557, %add3A_558 : vector<256x128xf32>
    %slice3A_560 = vector.extract_strided_slice %dot_general3A_499 {offsets = [0, 384], sizes = [256, 128], strides = [1, 1]} : vector<256x1024xf32> to vector<256x128xf32>
    %mul3A_561 = arith.constant 2.000000e+00 : f32
    %mul3A_562 = vector.broadcast %mul3A_561 : f32 to vector<256x128xf32>
    %mul3A_563 = arith.mulf %mul3A_562, %slice3A_560 : vector<256x128xf32>
    %sub3A_564 = arith.subf %add3A_559, %mul3A_563 : vector<256x128xf32>
    %iota3A_565 = tpu.iota {dimensions = array<i32: 1>} : vector<256x128xi32>
    %add3A_566 = arith.constant 3456 : i32
    %add3A_567 = vector.broadcast %add3A_566 : i32 to vector<256x128xi32>
    %add3A_568 = arith.addi %iota3A_565, %add3A_567 : vector<256x128xi32>
    %lt3A_569 = arith.cmpf olt, %sub3A_564, %select_n3A_553 : vector<256x128xf32>
    %select_n3A_570 = arith.select %lt3A_569, %add3A_568, %select_n3A_552 : vector<256x128xi1>, vector<256x128xi32>
    %select_n3A_571 = arith.select %lt3A_569, %sub3A_564, %select_n3A_553 : vector<256x128xi1>, vector<256x128xf32>
    %get3A_572 = arith.constant 0 : index
    %get3A_573 = arith.constant 3584 : index
    %get3A_574 = vector.load %arg4[%get3A_572, %get3A_573] : memref<1x8192xf32, #tpu.memory_space<vmem>>, vector<1x128xf32>
    %add3A_575 = vector.broadcast %get3A_4 : vector<256x1xf32> to vector<256x128xf32>
    %add3A_576 = vector.broadcast %get3A_574 : vector<1x128xf32> to vector<256x128xf32>
    %add3A_577 = arith.addf %add3A_575, %add3A_576 : vector<256x128xf32>
    %slice3A_578 = vector.extract_strided_slice %dot_general3A_499 {offsets = [0, 512], sizes = [256, 128], strides = [1, 1]} : vector<256x1024xf32> to vector<256x128xf32>
    %mul3A_579 = arith.constant 2.000000e+00 : f32
    %mul3A_580 = vector.broadcast %mul3A_579 : f32 to vector<256x128xf32>
    %mul3A_581 = arith.mulf %mul3A_580, %slice3A_578 : vector<256x128xf32>
    %sub3A_582 = arith.subf %add3A_577, %mul3A_581 : vector<256x128xf32>
    %iota3A_583 = tpu.iota {dimensions = array<i32: 1>} : vector<256x128xi32>
    %add3A_584 = arith.constant 3584 : i32
    %add3A_585 = vector.broadcast %add3A_584 : i32 to vector<256x128xi32>
    %add3A_586 = arith.addi %iota3A_583, %add3A_585 : vector<256x128xi32>
    %lt3A_587 = arith.cmpf olt, %sub3A_582, %select_n3A_571 : vector<256x128xf32>
    %select_n3A_588 = arith.select %lt3A_587, %add3A_586, %select_n3A_570 : vector<256x128xi1>, vector<256x128xi32>
    %select_n3A_589 = arith.select %lt3A_587, %sub3A_582, %select_n3A_571 : vector<256x128xi1>, vector<256x128xf32>
    %get3A_590 = arith.constant 0 : index
    %get3A_591 = arith.constant 3712 : index
    %get3A_592 = vector.load %arg4[%get3A_590, %get3A_591] : memref<1x8192xf32, #tpu.memory_space<vmem>>, vector<1x128xf32>
    %add3A_593 = vector.broadcast %get3A_4 : vector<256x1xf32> to vector<256x128xf32>
    %add3A_594 = vector.broadcast %get3A_592 : vector<1x128xf32> to vector<256x128xf32>
    %add3A_595 = arith.addf %add3A_593, %add3A_594 : vector<256x128xf32>
    %slice3A_596 = vector.extract_strided_slice %dot_general3A_499 {offsets = [0, 640], sizes = [256, 128], strides = [1, 1]} : vector<256x1024xf32> to vector<256x128xf32>
    %mul3A_597 = arith.constant 2.000000e+00 : f32
    %mul3A_598 = vector.broadcast %mul3A_597 : f32 to vector<256x128xf32>
    %mul3A_599 = arith.mulf %mul3A_598, %slice3A_596 : vector<256x128xf32>
    %sub3A_600 = arith.subf %add3A_595, %mul3A_599 : vector<256x128xf32>
    %iota3A_601 = tpu.iota {dimensions = array<i32: 1>} : vector<256x128xi32>
    %add3A_602 = arith.constant 3712 : i32
    %add3A_603 = vector.broadcast %add3A_602 : i32 to vector<256x128xi32>
    %add3A_604 = arith.addi %iota3A_601, %add3A_603 : vector<256x128xi32>
    %lt3A_605 = arith.cmpf olt, %sub3A_600, %select_n3A_589 : vector<256x128xf32>
    %select_n3A_606 = arith.select %lt3A_605, %add3A_604, %select_n3A_588 : vector<256x128xi1>, vector<256x128xi32>
    %select_n3A_607 = arith.select %lt3A_605, %sub3A_600, %select_n3A_589 : vector<256x128xi1>, vector<256x128xf32>
    %get3A_608 = arith.constant 0 : index
    %get3A_609 = arith.constant 3840 : index
    %get3A_610 = vector.load %arg4[%get3A_608, %get3A_609] : memref<1x8192xf32, #tpu.memory_space<vmem>>, vector<1x128xf32>
    %add3A_611 = vector.broadcast %get3A_4 : vector<256x1xf32> to vector<256x128xf32>
    %add3A_612 = vector.broadcast %get3A_610 : vector<1x128xf32> to vector<256x128xf32>
    %add3A_613 = arith.addf %add3A_611, %add3A_612 : vector<256x128xf32>
    %slice3A_614 = vector.extract_strided_slice %dot_general3A_499 {offsets = [0, 768], sizes = [256, 128], strides = [1, 1]} : vector<256x1024xf32> to vector<256x128xf32>
    %mul3A_615 = arith.constant 2.000000e+00 : f32
    %mul3A_616 = vector.broadcast %mul3A_615 : f32 to vector<256x128xf32>
    %mul3A_617 = arith.mulf %mul3A_616, %slice3A_614 : vector<256x128xf32>
    %sub3A_618 = arith.subf %add3A_613, %mul3A_617 : vector<256x128xf32>
    %iota3A_619 = tpu.iota {dimensions = array<i32: 1>} : vector<256x128xi32>
    %add3A_620 = arith.constant 3840 : i32
    %add3A_621 = vector.broadcast %add3A_620 : i32 to vector<256x128xi32>
    %add3A_622 = arith.addi %iota3A_619, %add3A_621 : vector<256x128xi32>
    %lt3A_623 = arith.cmpf olt, %sub3A_618, %select_n3A_607 : vector<256x128xf32>
    %select_n3A_624 = arith.select %lt3A_623, %add3A_622, %select_n3A_606 : vector<256x128xi1>, vector<256x128xi32>
    %select_n3A_625 = arith.select %lt3A_623, %sub3A_618, %select_n3A_607 : vector<256x128xi1>, vector<256x128xf32>
    %get3A_626 = arith.constant 0 : index
    %get3A_627 = arith.constant 3968 : index
    %get3A_628 = vector.load %arg4[%get3A_626, %get3A_627] : memref<1x8192xf32, #tpu.memory_space<vmem>>, vector<1x128xf32>
    %add3A_629 = vector.broadcast %get3A_4 : vector<256x1xf32> to vector<256x128xf32>
    %add3A_630 = vector.broadcast %get3A_628 : vector<1x128xf32> to vector<256x128xf32>
    %add3A_631 = arith.addf %add3A_629, %add3A_630 : vector<256x128xf32>
    %slice3A_632 = vector.extract_strided_slice %dot_general3A_499 {offsets = [0, 896], sizes = [256, 128], strides = [1, 1]} : vector<256x1024xf32> to vector<256x128xf32>
    %mul3A_633 = arith.constant 2.000000e+00 : f32
    %mul3A_634 = vector.broadcast %mul3A_633 : f32 to vector<256x128xf32>
    %mul3A_635 = arith.mulf %mul3A_634, %slice3A_632 : vector<256x128xf32>
    %sub3A_636 = arith.subf %add3A_631, %mul3A_635 : vector<256x128xf32>
    %iota3A_637 = tpu.iota {dimensions = array<i32: 1>} : vector<256x128xi32>
    %add3A_638 = arith.constant 3968 : i32
    %add3A_639 = vector.broadcast %add3A_638 : i32 to vector<256x128xi32>
    %add3A_640 = arith.addi %iota3A_637, %add3A_639 : vector<256x128xi32>
    %lt3A_641 = arith.cmpf olt, %sub3A_636, %select_n3A_625 : vector<256x128xf32>
    %select_n3A_642 = arith.select %lt3A_641, %add3A_640, %select_n3A_624 : vector<256x128xi1>, vector<256x128xi32>
    %select_n3A_643 = arith.select %lt3A_641, %sub3A_636, %select_n3A_625 : vector<256x128xi1>, vector<256x128xf32>
    %get3A_644 = arith.constant 4096 : index
    %get3A_645 = arith.constant 0 : index
    %get3A_646 = vector.load %arg2[%get3A_644, %get3A_645] : memref<8192x256xf32, #tpu.memory_space<vmem>>, vector<1024x256xf32>
    %convert_element_type3A_647 = arith.truncf %get3A_646 : vector<1024x256xf32> to vector<1024x256xbf16>
    %dot_general3A_648 = arith.constant dense<0.000000e+00> : vector<256x1024xf32>
    %dot_general3A_649 = tpu.matmul %convert_element_type3A, %convert_element_type3A_647, %dot_general3A_648 {dimension_numbers = #tpu.dot_dimension_numbers<[1], [1], [0], [0], [0, 0, 1, 0], [], []>, transpose_lhs_hint = false} : vector<256x256xbf16>, vector<1024x256xbf16>, vector<256x1024xf32> -> vector<256x1024xf32>
    %get3A_650 = arith.constant 0 : index
    %get3A_651 = arith.constant 4096 : index
    %get3A_652 = vector.load %arg4[%get3A_650, %get3A_651] : memref<1x8192xf32, #tpu.memory_space<vmem>>, vector<1x128xf32>
    %add3A_653 = vector.broadcast %get3A_4 : vector<256x1xf32> to vector<256x128xf32>
    %add3A_654 = vector.broadcast %get3A_652 : vector<1x128xf32> to vector<256x128xf32>
    %add3A_655 = arith.addf %add3A_653, %add3A_654 : vector<256x128xf32>
    %slice3A_656 = vector.extract_strided_slice %dot_general3A_649 {offsets = [0, 0], sizes = [256, 128], strides = [1, 1]} : vector<256x1024xf32> to vector<256x128xf32>
    %mul3A_657 = arith.constant 2.000000e+00 : f32
    %mul3A_658 = vector.broadcast %mul3A_657 : f32 to vector<256x128xf32>
    %mul3A_659 = arith.mulf %mul3A_658, %slice3A_656 : vector<256x128xf32>
    %sub3A_660 = arith.subf %add3A_655, %mul3A_659 : vector<256x128xf32>
    %iota3A_661 = tpu.iota {dimensions = array<i32: 1>} : vector<256x128xi32>
    %add3A_662 = arith.constant 4096 : i32
    %add3A_663 = vector.broadcast %add3A_662 : i32 to vector<256x128xi32>
    %add3A_664 = arith.addi %iota3A_661, %add3A_663 : vector<256x128xi32>
    %lt3A_665 = arith.cmpf olt, %sub3A_660, %select_n3A_643 : vector<256x128xf32>
    %select_n3A_666 = arith.select %lt3A_665, %add3A_664, %select_n3A_642 : vector<256x128xi1>, vector<256x128xi32>
    %select_n3A_667 = arith.select %lt3A_665, %sub3A_660, %select_n3A_643 : vector<256x128xi1>, vector<256x128xf32>
    %get3A_668 = arith.constant 0 : index
    %get3A_669 = arith.constant 4224 : index
    %get3A_670 = vector.load %arg4[%get3A_668, %get3A_669] : memref<1x8192xf32, #tpu.memory_space<vmem>>, vector<1x128xf32>
    %add3A_671 = vector.broadcast %get3A_4 : vector<256x1xf32> to vector<256x128xf32>
    %add3A_672 = vector.broadcast %get3A_670 : vector<1x128xf32> to vector<256x128xf32>
    %add3A_673 = arith.addf %add3A_671, %add3A_672 : vector<256x128xf32>
    %slice3A_674 = vector.extract_strided_slice %dot_general3A_649 {offsets = [0, 128], sizes = [256, 128], strides = [1, 1]} : vector<256x1024xf32> to vector<256x128xf32>
    %mul3A_675 = arith.constant 2.000000e+00 : f32
    %mul3A_676 = vector.broadcast %mul3A_675 : f32 to vector<256x128xf32>
    %mul3A_677 = arith.mulf %mul3A_676, %slice3A_674 : vector<256x128xf32>
    %sub3A_678 = arith.subf %add3A_673, %mul3A_677 : vector<256x128xf32>
    %iota3A_679 = tpu.iota {dimensions = array<i32: 1>} : vector<256x128xi32>
    %add3A_680 = arith.constant 4224 : i32
    %add3A_681 = vector.broadcast %add3A_680 : i32 to vector<256x128xi32>
    %add3A_682 = arith.addi %iota3A_679, %add3A_681 : vector<256x128xi32>
    %lt3A_683 = arith.cmpf olt, %sub3A_678, %select_n3A_667 : vector<256x128xf32>
    %select_n3A_684 = arith.select %lt3A_683, %add3A_682, %select_n3A_666 : vector<256x128xi1>, vector<256x128xi32>
    %select_n3A_685 = arith.select %lt3A_683, %sub3A_678, %select_n3A_667 : vector<256x128xi1>, vector<256x128xf32>
    %get3A_686 = arith.constant 0 : index
    %get3A_687 = arith.constant 4352 : index
    %get3A_688 = vector.load %arg4[%get3A_686, %get3A_687] : memref<1x8192xf32, #tpu.memory_space<vmem>>, vector<1x128xf32>
    %add3A_689 = vector.broadcast %get3A_4 : vector<256x1xf32> to vector<256x128xf32>
    %add3A_690 = vector.broadcast %get3A_688 : vector<1x128xf32> to vector<256x128xf32>
    %add3A_691 = arith.addf %add3A_689, %add3A_690 : vector<256x128xf32>
    %slice3A_692 = vector.extract_strided_slice %dot_general3A_649 {offsets = [0, 256], sizes = [256, 128], strides = [1, 1]} : vector<256x1024xf32> to vector<256x128xf32>
    %mul3A_693 = arith.constant 2.000000e+00 : f32
    %mul3A_694 = vector.broadcast %mul3A_693 : f32 to vector<256x128xf32>
    %mul3A_695 = arith.mulf %mul3A_694, %slice3A_692 : vector<256x128xf32>
    %sub3A_696 = arith.subf %add3A_691, %mul3A_695 : vector<256x128xf32>
    %iota3A_697 = tpu.iota {dimensions = array<i32: 1>} : vector<256x128xi32>
    %add3A_698 = arith.constant 4352 : i32
    %add3A_699 = vector.broadcast %add3A_698 : i32 to vector<256x128xi32>
    %add3A_700 = arith.addi %iota3A_697, %add3A_699 : vector<256x128xi32>
    %lt3A_701 = arith.cmpf olt, %sub3A_696, %select_n3A_685 : vector<256x128xf32>
    %select_n3A_702 = arith.select %lt3A_701, %add3A_700, %select_n3A_684 : vector<256x128xi1>, vector<256x128xi32>
    %select_n3A_703 = arith.select %lt3A_701, %sub3A_696, %select_n3A_685 : vector<256x128xi1>, vector<256x128xf32>
    %get3A_704 = arith.constant 0 : index
    %get3A_705 = arith.constant 4480 : index
    %get3A_706 = vector.load %arg4[%get3A_704, %get3A_705] : memref<1x8192xf32, #tpu.memory_space<vmem>>, vector<1x128xf32>
    %add3A_707 = vector.broadcast %get3A_4 : vector<256x1xf32> to vector<256x128xf32>
    %add3A_708 = vector.broadcast %get3A_706 : vector<1x128xf32> to vector<256x128xf32>
    %add3A_709 = arith.addf %add3A_707, %add3A_708 : vector<256x128xf32>
    %slice3A_710 = vector.extract_strided_slice %dot_general3A_649 {offsets = [0, 384], sizes = [256, 128], strides = [1, 1]} : vector<256x1024xf32> to vector<256x128xf32>
    %mul3A_711 = arith.constant 2.000000e+00 : f32
    %mul3A_712 = vector.broadcast %mul3A_711 : f32 to vector<256x128xf32>
    %mul3A_713 = arith.mulf %mul3A_712, %slice3A_710 : vector<256x128xf32>
    %sub3A_714 = arith.subf %add3A_709, %mul3A_713 : vector<256x128xf32>
    %iota3A_715 = tpu.iota {dimensions = array<i32: 1>} : vector<256x128xi32>
    %add3A_716 = arith.constant 4480 : i32
    %add3A_717 = vector.broadcast %add3A_716 : i32 to vector<256x128xi32>
    %add3A_718 = arith.addi %iota3A_715, %add3A_717 : vector<256x128xi32>
    %lt3A_719 = arith.cmpf olt, %sub3A_714, %select_n3A_703 : vector<256x128xf32>
    %select_n3A_720 = arith.select %lt3A_719, %add3A_718, %select_n3A_702 : vector<256x128xi1>, vector<256x128xi32>
    %select_n3A_721 = arith.select %lt3A_719, %sub3A_714, %select_n3A_703 : vector<256x128xi1>, vector<256x128xf32>
    %get3A_722 = arith.constant 0 : index
    %get3A_723 = arith.constant 4608 : index
    %get3A_724 = vector.load %arg4[%get3A_722, %get3A_723] : memref<1x8192xf32, #tpu.memory_space<vmem>>, vector<1x128xf32>
    %add3A_725 = vector.broadcast %get3A_4 : vector<256x1xf32> to vector<256x128xf32>
    %add3A_726 = vector.broadcast %get3A_724 : vector<1x128xf32> to vector<256x128xf32>
    %add3A_727 = arith.addf %add3A_725, %add3A_726 : vector<256x128xf32>
    %slice3A_728 = vector.extract_strided_slice %dot_general3A_649 {offsets = [0, 512], sizes = [256, 128], strides = [1, 1]} : vector<256x1024xf32> to vector<256x128xf32>
    %mul3A_729 = arith.constant 2.000000e+00 : f32
    %mul3A_730 = vector.broadcast %mul3A_729 : f32 to vector<256x128xf32>
    %mul3A_731 = arith.mulf %mul3A_730, %slice3A_728 : vector<256x128xf32>
    %sub3A_732 = arith.subf %add3A_727, %mul3A_731 : vector<256x128xf32>
    %iota3A_733 = tpu.iota {dimensions = array<i32: 1>} : vector<256x128xi32>
    %add3A_734 = arith.constant 4608 : i32
    %add3A_735 = vector.broadcast %add3A_734 : i32 to vector<256x128xi32>
    %add3A_736 = arith.addi %iota3A_733, %add3A_735 : vector<256x128xi32>
    %lt3A_737 = arith.cmpf olt, %sub3A_732, %select_n3A_721 : vector<256x128xf32>
    %select_n3A_738 = arith.select %lt3A_737, %add3A_736, %select_n3A_720 : vector<256x128xi1>, vector<256x128xi32>
    %select_n3A_739 = arith.select %lt3A_737, %sub3A_732, %select_n3A_721 : vector<256x128xi1>, vector<256x128xf32>
    %get3A_740 = arith.constant 0 : index
    %get3A_741 = arith.constant 4736 : index
    %get3A_742 = vector.load %arg4[%get3A_740, %get3A_741] : memref<1x8192xf32, #tpu.memory_space<vmem>>, vector<1x128xf32>
    %add3A_743 = vector.broadcast %get3A_4 : vector<256x1xf32> to vector<256x128xf32>
    %add3A_744 = vector.broadcast %get3A_742 : vector<1x128xf32> to vector<256x128xf32>
    %add3A_745 = arith.addf %add3A_743, %add3A_744 : vector<256x128xf32>
    %slice3A_746 = vector.extract_strided_slice %dot_general3A_649 {offsets = [0, 640], sizes = [256, 128], strides = [1, 1]} : vector<256x1024xf32> to vector<256x128xf32>
    %mul3A_747 = arith.constant 2.000000e+00 : f32
    %mul3A_748 = vector.broadcast %mul3A_747 : f32 to vector<256x128xf32>
    %mul3A_749 = arith.mulf %mul3A_748, %slice3A_746 : vector<256x128xf32>
    %sub3A_750 = arith.subf %add3A_745, %mul3A_749 : vector<256x128xf32>
    %iota3A_751 = tpu.iota {dimensions = array<i32: 1>} : vector<256x128xi32>
    %add3A_752 = arith.constant 4736 : i32
    %add3A_753 = vector.broadcast %add3A_752 : i32 to vector<256x128xi32>
    %add3A_754 = arith.addi %iota3A_751, %add3A_753 : vector<256x128xi32>
    %lt3A_755 = arith.cmpf olt, %sub3A_750, %select_n3A_739 : vector<256x128xf32>
    %select_n3A_756 = arith.select %lt3A_755, %add3A_754, %select_n3A_738 : vector<256x128xi1>, vector<256x128xi32>
    %select_n3A_757 = arith.select %lt3A_755, %sub3A_750, %select_n3A_739 : vector<256x128xi1>, vector<256x128xf32>
    %get3A_758 = arith.constant 0 : index
    %get3A_759 = arith.constant 4864 : index
    %get3A_760 = vector.load %arg4[%get3A_758, %get3A_759] : memref<1x8192xf32, #tpu.memory_space<vmem>>, vector<1x128xf32>
    %add3A_761 = vector.broadcast %get3A_4 : vector<256x1xf32> to vector<256x128xf32>
    %add3A_762 = vector.broadcast %get3A_760 : vector<1x128xf32> to vector<256x128xf32>
    %add3A_763 = arith.addf %add3A_761, %add3A_762 : vector<256x128xf32>
    %slice3A_764 = vector.extract_strided_slice %dot_general3A_649 {offsets = [0, 768], sizes = [256, 128], strides = [1, 1]} : vector<256x1024xf32> to vector<256x128xf32>
    %mul3A_765 = arith.constant 2.000000e+00 : f32
    %mul3A_766 = vector.broadcast %mul3A_765 : f32 to vector<256x128xf32>
    %mul3A_767 = arith.mulf %mul3A_766, %slice3A_764 : vector<256x128xf32>
    %sub3A_768 = arith.subf %add3A_763, %mul3A_767 : vector<256x128xf32>
    %iota3A_769 = tpu.iota {dimensions = array<i32: 1>} : vector<256x128xi32>
    %add3A_770 = arith.constant 4864 : i32
    %add3A_771 = vector.broadcast %add3A_770 : i32 to vector<256x128xi32>
    %add3A_772 = arith.addi %iota3A_769, %add3A_771 : vector<256x128xi32>
    %lt3A_773 = arith.cmpf olt, %sub3A_768, %select_n3A_757 : vector<256x128xf32>
    %select_n3A_774 = arith.select %lt3A_773, %add3A_772, %select_n3A_756 : vector<256x128xi1>, vector<256x128xi32>
    %select_n3A_775 = arith.select %lt3A_773, %sub3A_768, %select_n3A_757 : vector<256x128xi1>, vector<256x128xf32>
    %get3A_776 = arith.constant 0 : index
    %get3A_777 = arith.constant 4992 : index
    %get3A_778 = vector.load %arg4[%get3A_776, %get3A_777] : memref<1x8192xf32, #tpu.memory_space<vmem>>, vector<1x128xf32>
    %add3A_779 = vector.broadcast %get3A_4 : vector<256x1xf32> to vector<256x128xf32>
    %add3A_780 = vector.broadcast %get3A_778 : vector<1x128xf32> to vector<256x128xf32>
    %add3A_781 = arith.addf %add3A_779, %add3A_780 : vector<256x128xf32>
    %slice3A_782 = vector.extract_strided_slice %dot_general3A_649 {offsets = [0, 896], sizes = [256, 128], strides = [1, 1]} : vector<256x1024xf32> to vector<256x128xf32>
    %mul3A_783 = arith.constant 2.000000e+00 : f32
    %mul3A_784 = vector.broadcast %mul3A_783 : f32 to vector<256x128xf32>
    %mul3A_785 = arith.mulf %mul3A_784, %slice3A_782 : vector<256x128xf32>
    %sub3A_786 = arith.subf %add3A_781, %mul3A_785 : vector<256x128xf32>
    %iota3A_787 = tpu.iota {dimensions = array<i32: 1>} : vector<256x128xi32>
    %add3A_788 = arith.constant 4992 : i32
    %add3A_789 = vector.broadcast %add3A_788 : i32 to vector<256x128xi32>
    %add3A_790 = arith.addi %iota3A_787, %add3A_789 : vector<256x128xi32>
    %lt3A_791 = arith.cmpf olt, %sub3A_786, %select_n3A_775 : vector<256x128xf32>
    %select_n3A_792 = arith.select %lt3A_791, %add3A_790, %select_n3A_774 : vector<256x128xi1>, vector<256x128xi32>
    %select_n3A_793 = arith.select %lt3A_791, %sub3A_786, %select_n3A_775 : vector<256x128xi1>, vector<256x128xf32>
    %get3A_794 = arith.constant 5120 : index
    %get3A_795 = arith.constant 0 : index
    %get3A_796 = vector.load %arg2[%get3A_794, %get3A_795] : memref<8192x256xf32, #tpu.memory_space<vmem>>, vector<1024x256xf32>
    %convert_element_type3A_797 = arith.truncf %get3A_796 : vector<1024x256xf32> to vector<1024x256xbf16>
    %dot_general3A_798 = arith.constant dense<0.000000e+00> : vector<256x1024xf32>
    %dot_general3A_799 = tpu.matmul %convert_element_type3A, %convert_element_type3A_797, %dot_general3A_798 {dimension_numbers = #tpu.dot_dimension_numbers<[1], [1], [0], [0], [0, 0, 1, 0], [], []>, transpose_lhs_hint = false} : vector<256x256xbf16>, vector<1024x256xbf16>, vector<256x1024xf32> -> vector<256x1024xf32>
    %get3A_800 = arith.constant 0 : index
    %get3A_801 = arith.constant 5120 : index
    %get3A_802 = vector.load %arg4[%get3A_800, %get3A_801] : memref<1x8192xf32, #tpu.memory_space<vmem>>, vector<1x128xf32>
    %add3A_803 = vector.broadcast %get3A_4 : vector<256x1xf32> to vector<256x128xf32>
    %add3A_804 = vector.broadcast %get3A_802 : vector<1x128xf32> to vector<256x128xf32>
    %add3A_805 = arith.addf %add3A_803, %add3A_804 : vector<256x128xf32>
    %slice3A_806 = vector.extract_strided_slice %dot_general3A_799 {offsets = [0, 0], sizes = [256, 128], strides = [1, 1]} : vector<256x1024xf32> to vector<256x128xf32>
    %mul3A_807 = arith.constant 2.000000e+00 : f32
    %mul3A_808 = vector.broadcast %mul3A_807 : f32 to vector<256x128xf32>
    %mul3A_809 = arith.mulf %mul3A_808, %slice3A_806 : vector<256x128xf32>
    %sub3A_810 = arith.subf %add3A_805, %mul3A_809 : vector<256x128xf32>
    %iota3A_811 = tpu.iota {dimensions = array<i32: 1>} : vector<256x128xi32>
    %add3A_812 = arith.constant 5120 : i32
    %add3A_813 = vector.broadcast %add3A_812 : i32 to vector<256x128xi32>
    %add3A_814 = arith.addi %iota3A_811, %add3A_813 : vector<256x128xi32>
    %lt3A_815 = arith.cmpf olt, %sub3A_810, %select_n3A_793 : vector<256x128xf32>
    %select_n3A_816 = arith.select %lt3A_815, %add3A_814, %select_n3A_792 : vector<256x128xi1>, vector<256x128xi32>
    %select_n3A_817 = arith.select %lt3A_815, %sub3A_810, %select_n3A_793 : vector<256x128xi1>, vector<256x128xf32>
    %get3A_818 = arith.constant 0 : index
    %get3A_819 = arith.constant 5248 : index
    %get3A_820 = vector.load %arg4[%get3A_818, %get3A_819] : memref<1x8192xf32, #tpu.memory_space<vmem>>, vector<1x128xf32>
    %add3A_821 = vector.broadcast %get3A_4 : vector<256x1xf32> to vector<256x128xf32>
    %add3A_822 = vector.broadcast %get3A_820 : vector<1x128xf32> to vector<256x128xf32>
    %add3A_823 = arith.addf %add3A_821, %add3A_822 : vector<256x128xf32>
    %slice3A_824 = vector.extract_strided_slice %dot_general3A_799 {offsets = [0, 128], sizes = [256, 128], strides = [1, 1]} : vector<256x1024xf32> to vector<256x128xf32>
    %mul3A_825 = arith.constant 2.000000e+00 : f32
    %mul3A_826 = vector.broadcast %mul3A_825 : f32 to vector<256x128xf32>
    %mul3A_827 = arith.mulf %mul3A_826, %slice3A_824 : vector<256x128xf32>
    %sub3A_828 = arith.subf %add3A_823, %mul3A_827 : vector<256x128xf32>
    %iota3A_829 = tpu.iota {dimensions = array<i32: 1>} : vector<256x128xi32>
    %add3A_830 = arith.constant 5248 : i32
    %add3A_831 = vector.broadcast %add3A_830 : i32 to vector<256x128xi32>
    %add3A_832 = arith.addi %iota3A_829, %add3A_831 : vector<256x128xi32>
    %lt3A_833 = arith.cmpf olt, %sub3A_828, %select_n3A_817 : vector<256x128xf32>
    %select_n3A_834 = arith.select %lt3A_833, %add3A_832, %select_n3A_816 : vector<256x128xi1>, vector<256x128xi32>
    %select_n3A_835 = arith.select %lt3A_833, %sub3A_828, %select_n3A_817 : vector<256x128xi1>, vector<256x128xf32>
    %get3A_836 = arith.constant 0 : index
    %get3A_837 = arith.constant 5376 : index
    %get3A_838 = vector.load %arg4[%get3A_836, %get3A_837] : memref<1x8192xf32, #tpu.memory_space<vmem>>, vector<1x128xf32>
    %add3A_839 = vector.broadcast %get3A_4 : vector<256x1xf32> to vector<256x128xf32>
    %add3A_840 = vector.broadcast %get3A_838 : vector<1x128xf32> to vector<256x128xf32>
    %add3A_841 = arith.addf %add3A_839, %add3A_840 : vector<256x128xf32>
    %slice3A_842 = vector.extract_strided_slice %dot_general3A_799 {offsets = [0, 256], sizes = [256, 128], strides = [1, 1]} : vector<256x1024xf32> to vector<256x128xf32>
    %mul3A_843 = arith.constant 2.000000e+00 : f32
    %mul3A_844 = vector.broadcast %mul3A_843 : f32 to vector<256x128xf32>
    %mul3A_845 = arith.mulf %mul3A_844, %slice3A_842 : vector<256x128xf32>
    %sub3A_846 = arith.subf %add3A_841, %mul3A_845 : vector<256x128xf32>
    %iota3A_847 = tpu.iota {dimensions = array<i32: 1>} : vector<256x128xi32>
    %add3A_848 = arith.constant 5376 : i32
    %add3A_849 = vector.broadcast %add3A_848 : i32 to vector<256x128xi32>
    %add3A_850 = arith.addi %iota3A_847, %add3A_849 : vector<256x128xi32>
    %iota3A_851 = tpu.iota {dimensions = array<i32: 1>} : vector<256x128xi32>
    %ge3A_852 = arith.constant 0 : i32
    %ge3A_853 = vector.broadcast %ge3A_852 : i32 to vector<256x128xi32>
    %ge3A_854 = arith.cmpi sge, %iota3A_851, %ge3A_853 : vector<256x128xi32>
    %lt3A_855 = arith.constant 96 : i32
    %lt3A_856 = vector.broadcast %lt3A_855 : i32 to vector<256x128xi32>
    %lt3A_857 = arith.cmpi slt, %iota3A_851, %lt3A_856 : vector<256x128xi32>
    %and3A_858 = arith.andi %ge3A_854, %lt3A_857 : vector<256x128xi1>
    %jit3A_859 = arith.constant 0x7F800000 : f32
    %broadcast_in_dim3A_860 = vector.broadcast %jit3A_859 : f32 to vector<256x128xf32>
    %select_n3A_861 = arith.select %and3A_858, %sub3A_846, %broadcast_in_dim3A_860 : vector<256x128xi1>, vector<256x128xf32>
    %lt3A_862 = arith.cmpf olt, %select_n3A_861, %select_n3A_835 : vector<256x128xf32>
    %select_n3A_863 = arith.select %lt3A_862, %add3A_850, %select_n3A_834 : vector<256x128xi1>, vector<256x128xi32>
    %select_n3A_864 = arith.select %lt3A_862, %select_n3A_861, %select_n3A_835 : vector<256x128xi1>, vector<256x128xf32>
    %reduce_min3A_865 = arith.constant dense<0x7F800000> : vector<256xf32>
    %reduce_min3A_866 = vector.multi_reduction <minimumf>, %select_n3A_864, %reduce_min3A_865 [1] : vector<256x128xf32> to vector<256xf32>
    %broadcast_in_dim3A_867 = vector.shape_cast %reduce_min3A_866 : vector<256xf32> to vector<256x1xf32>
    %eq3A_868 = vector.broadcast %broadcast_in_dim3A_867 : vector<256x1xf32> to vector<256x128xf32>
    %eq3A_869 = arith.cmpf oeq, %select_n3A_864, %eq3A_868 : vector<256x128xf32>
    %jit3A_870 = arith.constant 2147483647 : i32
    %broadcast_in_dim3A_871 = vector.broadcast %jit3A_870 : i32 to vector<256x128xi32>
    %select_n3A_872 = arith.select %eq3A_869, %select_n3A_863, %broadcast_in_dim3A_871 : vector<256x128xi1>, vector<256x128xi32>
    %reduce_min3A_873 = arith.constant dense<2147483647> : vector<256xi32>
    %reduce_min3A_874 = vector.multi_reduction <minsi>, %select_n3A_872, %reduce_min3A_873 [1] : vector<256x128xi32> to vector<256xi32>
    %broadcast_in_dim3A_875 = vector.shape_cast %reduce_min3A_874 : vector<256xi32> to vector<256x1xi32>
    %lt3A_876 = arith.cmpf olt, %broadcast_in_dim3A_867, %convert_element_type3A_439 : vector<256x1xf32>
    %select_n3A_877 = arith.select %lt3A_876, %broadcast_in_dim3A_867, %convert_element_type3A_439 : vector<256x1xi1>, vector<256x1xf32>
    %select_n3A_878 = arith.select %lt3A_876, %broadcast_in_dim3A_875, %select_n3A_437 : vector<256x1xi1>, vector<256x1xi32>
    %convert_element_type3A_879 = arith.truncf %select_n3A_877 : vector<256x1xf32> to vector<256x1xbf16>
    %convert_element_type3A_880 = arith.extf %convert_element_type3A_879 : vector<256x1xbf16> to vector<256x1xf32>
    %broadcast_in_dim3A_881 = arith.constant 0x7F800000 : f32
    %broadcast_in_dim3A_882 = vector.broadcast %broadcast_in_dim3A_881 : f32 to vector<256x128xf32>
    %broadcast_in_dim3A_883 = arith.constant 0 : i32
    %broadcast_in_dim3A_884 = vector.broadcast %broadcast_in_dim3A_883 : i32 to vector<256x128xi32>
    %iota3A_885 = tpu.iota {dimensions = array<i32: 1>} : vector<256x128xi32>
    %ge3A_886 = arith.constant 96 : i32
    %ge3A_887 = vector.broadcast %ge3A_886 : i32 to vector<256x128xi32>
    %ge3A_888 = arith.cmpi sge, %iota3A_885, %ge3A_887 : vector<256x128xi32>
    %lt3A_889 = arith.constant 128 : i32
    %lt3A_890 = vector.broadcast %lt3A_889 : i32 to vector<256x128xi32>
    %lt3A_891 = arith.cmpi slt, %iota3A_885, %lt3A_890 : vector<256x128xi32>
    %and3A_892 = arith.andi %ge3A_888, %lt3A_891 : vector<256x128xi1>
    %jit3A_893 = arith.constant 0x7F800000 : f32
    %broadcast_in_dim3A_894 = vector.broadcast %jit3A_893 : f32 to vector<256x128xf32>
    %select_n3A_895 = arith.select %and3A_892, %sub3A_846, %broadcast_in_dim3A_894 : vector<256x128xi1>, vector<256x128xf32>
    %lt3A_896 = arith.cmpf olt, %select_n3A_895, %broadcast_in_dim3A_882 : vector<256x128xf32>
    %select_n3A_897 = arith.select %lt3A_896, %add3A_850, %broadcast_in_dim3A_884 : vector<256x128xi1>, vector<256x128xi32>
    %select_n3A_898 = arith.select %lt3A_896, %select_n3A_895, %broadcast_in_dim3A_882 : vector<256x128xi1>, vector<256x128xf32>
    %get3A_899 = arith.constant 0 : index
    %get3A_900 = arith.constant 5504 : index
    %get3A_901 = vector.load %arg4[%get3A_899, %get3A_900] : memref<1x8192xf32, #tpu.memory_space<vmem>>, vector<1x128xf32>
    %add3A_902 = vector.broadcast %get3A_4 : vector<256x1xf32> to vector<256x128xf32>
    %add3A_903 = vector.broadcast %get3A_901 : vector<1x128xf32> to vector<256x128xf32>
    %add3A_904 = arith.addf %add3A_902, %add3A_903 : vector<256x128xf32>
    %slice3A_905 = vector.extract_strided_slice %dot_general3A_799 {offsets = [0, 384], sizes = [256, 128], strides = [1, 1]} : vector<256x1024xf32> to vector<256x128xf32>
    %mul3A_906 = arith.constant 2.000000e+00 : f32
    %mul3A_907 = vector.broadcast %mul3A_906 : f32 to vector<256x128xf32>
    %mul3A_908 = arith.mulf %mul3A_907, %slice3A_905 : vector<256x128xf32>
    %sub3A_909 = arith.subf %add3A_904, %mul3A_908 : vector<256x128xf32>
    %iota3A_910 = tpu.iota {dimensions = array<i32: 1>} : vector<256x128xi32>
    %add3A_911 = arith.constant 5504 : i32
    %add3A_912 = vector.broadcast %add3A_911 : i32 to vector<256x128xi32>
    %add3A_913 = arith.addi %iota3A_910, %add3A_912 : vector<256x128xi32>
    %lt3A_914 = arith.cmpf olt, %sub3A_909, %select_n3A_898 : vector<256x128xf32>
    %select_n3A_915 = arith.select %lt3A_914, %add3A_913, %select_n3A_897 : vector<256x128xi1>, vector<256x128xi32>
    %select_n3A_916 = arith.select %lt3A_914, %sub3A_909, %select_n3A_898 : vector<256x128xi1>, vector<256x128xf32>
    %get3A_917 = arith.constant 0 : index
    %get3A_918 = arith.constant 5632 : index
    %get3A_919 = vector.load %arg4[%get3A_917, %get3A_918] : memref<1x8192xf32, #tpu.memory_space<vmem>>, vector<1x128xf32>
    %add3A_920 = vector.broadcast %get3A_4 : vector<256x1xf32> to vector<256x128xf32>
    %add3A_921 = vector.broadcast %get3A_919 : vector<1x128xf32> to vector<256x128xf32>
    %add3A_922 = arith.addf %add3A_920, %add3A_921 : vector<256x128xf32>
    %slice3A_923 = vector.extract_strided_slice %dot_general3A_799 {offsets = [0, 512], sizes = [256, 128], strides = [1, 1]} : vector<256x1024xf32> to vector<256x128xf32>
    %mul3A_924 = arith.constant 2.000000e+00 : f32
    %mul3A_925 = vector.broadcast %mul3A_924 : f32 to vector<256x128xf32>
    %mul3A_926 = arith.mulf %mul3A_925, %slice3A_923 : vector<256x128xf32>
    %sub3A_927 = arith.subf %add3A_922, %mul3A_926 : vector<256x128xf32>
    %iota3A_928 = tpu.iota {dimensions = array<i32: 1>} : vector<256x128xi32>
    %add3A_929 = arith.constant 5632 : i32
    %add3A_930 = vector.broadcast %add3A_929 : i32 to vector<256x128xi32>
    %add3A_931 = arith.addi %iota3A_928, %add3A_930 : vector<256x128xi32>
    %lt3A_932 = arith.cmpf olt, %sub3A_927, %select_n3A_916 : vector<256x128xf32>
    %select_n3A_933 = arith.select %lt3A_932, %add3A_931, %select_n3A_915 : vector<256x128xi1>, vector<256x128xi32>
    %select_n3A_934 = arith.select %lt3A_932, %sub3A_927, %select_n3A_916 : vector<256x128xi1>, vector<256x128xf32>
    %get3A_935 = arith.constant 0 : index
    %get3A_936 = arith.constant 5760 : index
    %get3A_937 = vector.load %arg4[%get3A_935, %get3A_936] : memref<1x8192xf32, #tpu.memory_space<vmem>>, vector<1x128xf32>
    %add3A_938 = vector.broadcast %get3A_4 : vector<256x1xf32> to vector<256x128xf32>
    %add3A_939 = vector.broadcast %get3A_937 : vector<1x128xf32> to vector<256x128xf32>
    %add3A_940 = arith.addf %add3A_938, %add3A_939 : vector<256x128xf32>
    %slice3A_941 = vector.extract_strided_slice %dot_general3A_799 {offsets = [0, 640], sizes = [256, 128], strides = [1, 1]} : vector<256x1024xf32> to vector<256x128xf32>
    %mul3A_942 = arith.constant 2.000000e+00 : f32
    %mul3A_943 = vector.broadcast %mul3A_942 : f32 to vector<256x128xf32>
    %mul3A_944 = arith.mulf %mul3A_943, %slice3A_941 : vector<256x128xf32>
    %sub3A_945 = arith.subf %add3A_940, %mul3A_944 : vector<256x128xf32>
    %iota3A_946 = tpu.iota {dimensions = array<i32: 1>} : vector<256x128xi32>
    %add3A_947 = arith.constant 5760 : i32
    %add3A_948 = vector.broadcast %add3A_947 : i32 to vector<256x128xi32>
    %add3A_949 = arith.addi %iota3A_946, %add3A_948 : vector<256x128xi32>
    %lt3A_950 = arith.cmpf olt, %sub3A_945, %select_n3A_934 : vector<256x128xf32>
    %select_n3A_951 = arith.select %lt3A_950, %add3A_949, %select_n3A_933 : vector<256x128xi1>, vector<256x128xi32>
    %select_n3A_952 = arith.select %lt3A_950, %sub3A_945, %select_n3A_934 : vector<256x128xi1>, vector<256x128xf32>
    %get3A_953 = arith.constant 0 : index
    %get3A_954 = arith.constant 5888 : index
    %get3A_955 = vector.load %arg4[%get3A_953, %get3A_954] : memref<1x8192xf32, #tpu.memory_space<vmem>>, vector<1x128xf32>
    %add3A_956 = vector.broadcast %get3A_4 : vector<256x1xf32> to vector<256x128xf32>
    %add3A_957 = vector.broadcast %get3A_955 : vector<1x128xf32> to vector<256x128xf32>
    %add3A_958 = arith.addf %add3A_956, %add3A_957 : vector<256x128xf32>
    %slice3A_959 = vector.extract_strided_slice %dot_general3A_799 {offsets = [0, 768], sizes = [256, 128], strides = [1, 1]} : vector<256x1024xf32> to vector<256x128xf32>
    %mul3A_960 = arith.constant 2.000000e+00 : f32
    %mul3A_961 = vector.broadcast %mul3A_960 : f32 to vector<256x128xf32>
    %mul3A_962 = arith.mulf %mul3A_961, %slice3A_959 : vector<256x128xf32>
    %sub3A_963 = arith.subf %add3A_958, %mul3A_962 : vector<256x128xf32>
    %iota3A_964 = tpu.iota {dimensions = array<i32: 1>} : vector<256x128xi32>
    %add3A_965 = arith.constant 5888 : i32
    %add3A_966 = vector.broadcast %add3A_965 : i32 to vector<256x128xi32>
    %add3A_967 = arith.addi %iota3A_964, %add3A_966 : vector<256x128xi32>
    %lt3A_968 = arith.cmpf olt, %sub3A_963, %select_n3A_952 : vector<256x128xf32>
    %select_n3A_969 = arith.select %lt3A_968, %add3A_967, %select_n3A_951 : vector<256x128xi1>, vector<256x128xi32>
    %select_n3A_970 = arith.select %lt3A_968, %sub3A_963, %select_n3A_952 : vector<256x128xi1>, vector<256x128xf32>
    %get3A_971 = arith.constant 0 : index
    %get3A_972 = arith.constant 6016 : index
    %get3A_973 = vector.load %arg4[%get3A_971, %get3A_972] : memref<1x8192xf32, #tpu.memory_space<vmem>>, vector<1x128xf32>
    %add3A_974 = vector.broadcast %get3A_4 : vector<256x1xf32> to vector<256x128xf32>
    %add3A_975 = vector.broadcast %get3A_973 : vector<1x128xf32> to vector<256x128xf32>
    %add3A_976 = arith.addf %add3A_974, %add3A_975 : vector<256x128xf32>
    %slice3A_977 = vector.extract_strided_slice %dot_general3A_799 {offsets = [0, 896], sizes = [256, 128], strides = [1, 1]} : vector<256x1024xf32> to vector<256x128xf32>
    %mul3A_978 = arith.constant 2.000000e+00 : f32
    %mul3A_979 = vector.broadcast %mul3A_978 : f32 to vector<256x128xf32>
    %mul3A_980 = arith.mulf %mul3A_979, %slice3A_977 : vector<256x128xf32>
    %sub3A_981 = arith.subf %add3A_976, %mul3A_980 : vector<256x128xf32>
    %iota3A_982 = tpu.iota {dimensions = array<i32: 1>} : vector<256x128xi32>
    %add3A_983 = arith.constant 6016 : i32
    %add3A_984 = vector.broadcast %add3A_983 : i32 to vector<256x128xi32>
    %add3A_985 = arith.addi %iota3A_982, %add3A_984 : vector<256x128xi32>
    %lt3A_986 = arith.cmpf olt, %sub3A_981, %select_n3A_970 : vector<256x128xf32>
    %select_n3A_987 = arith.select %lt3A_986, %add3A_985, %select_n3A_969 : vector<256x128xi1>, vector<256x128xi32>
    %select_n3A_988 = arith.select %lt3A_986, %sub3A_981, %select_n3A_970 : vector<256x128xi1>, vector<256x128xf32>
    %get3A_989 = arith.constant 6144 : index
    %get3A_990 = arith.constant 0 : index
    %get3A_991 = vector.load %arg2[%get3A_989, %get3A_990] : memref<8192x256xf32, #tpu.memory_space<vmem>>, vector<1024x256xf32>
    %convert_element_type3A_992 = arith.truncf %get3A_991 : vector<1024x256xf32> to vector<1024x256xbf16>
    %dot_general3A_993 = arith.constant dense<0.000000e+00> : vector<256x1024xf32>
    %dot_general3A_994 = tpu.matmul %convert_element_type3A, %convert_element_type3A_992, %dot_general3A_993 {dimension_numbers = #tpu.dot_dimension_numbers<[1], [1], [0], [0], [0, 0, 1, 0], [], []>, transpose_lhs_hint = false} : vector<256x256xbf16>, vector<1024x256xbf16>, vector<256x1024xf32> -> vector<256x1024xf32>
    %get3A_995 = arith.constant 0 : index
    %get3A_996 = arith.constant 6144 : index
    %get3A_997 = vector.load %arg4[%get3A_995, %get3A_996] : memref<1x8192xf32, #tpu.memory_space<vmem>>, vector<1x128xf32>
    %add3A_998 = vector.broadcast %get3A_4 : vector<256x1xf32> to vector<256x128xf32>
    %add3A_999 = vector.broadcast %get3A_997 : vector<1x128xf32> to vector<256x128xf32>
    %add3A_1000 = arith.addf %add3A_998, %add3A_999 : vector<256x128xf32>
    %slice3A_1001 = vector.extract_strided_slice %dot_general3A_994 {offsets = [0, 0], sizes = [256, 128], strides = [1, 1]} : vector<256x1024xf32> to vector<256x128xf32>
    %mul3A_1002 = arith.constant 2.000000e+00 : f32
    %mul3A_1003 = vector.broadcast %mul3A_1002 : f32 to vector<256x128xf32>
    %mul3A_1004 = arith.mulf %mul3A_1003, %slice3A_1001 : vector<256x128xf32>
    %sub3A_1005 = arith.subf %add3A_1000, %mul3A_1004 : vector<256x128xf32>
    %iota3A_1006 = tpu.iota {dimensions = array<i32: 1>} : vector<256x128xi32>
    %add3A_1007 = arith.constant 6144 : i32
    %add3A_1008 = vector.broadcast %add3A_1007 : i32 to vector<256x128xi32>
    %add3A_1009 = arith.addi %iota3A_1006, %add3A_1008 : vector<256x128xi32>
    %lt3A_1010 = arith.cmpf olt, %sub3A_1005, %select_n3A_988 : vector<256x128xf32>
    %select_n3A_1011 = arith.select %lt3A_1010, %add3A_1009, %select_n3A_987 : vector<256x128xi1>, vector<256x128xi32>
    %select_n3A_1012 = arith.select %lt3A_1010, %sub3A_1005, %select_n3A_988 : vector<256x128xi1>, vector<256x128xf32>
    %get3A_1013 = arith.constant 0 : index
    %get3A_1014 = arith.constant 6272 : index
    %get3A_1015 = vector.load %arg4[%get3A_1013, %get3A_1014] : memref<1x8192xf32, #tpu.memory_space<vmem>>, vector<1x128xf32>
    %add3A_1016 = vector.broadcast %get3A_4 : vector<256x1xf32> to vector<256x128xf32>
    %add3A_1017 = vector.broadcast %get3A_1015 : vector<1x128xf32> to vector<256x128xf32>
    %add3A_1018 = arith.addf %add3A_1016, %add3A_1017 : vector<256x128xf32>
    %slice3A_1019 = vector.extract_strided_slice %dot_general3A_994 {offsets = [0, 128], sizes = [256, 128], strides = [1, 1]} : vector<256x1024xf32> to vector<256x128xf32>
    %mul3A_1020 = arith.constant 2.000000e+00 : f32
    %mul3A_1021 = vector.broadcast %mul3A_1020 : f32 to vector<256x128xf32>
    %mul3A_1022 = arith.mulf %mul3A_1021, %slice3A_1019 : vector<256x128xf32>
    %sub3A_1023 = arith.subf %add3A_1018, %mul3A_1022 : vector<256x128xf32>
    %iota3A_1024 = tpu.iota {dimensions = array<i32: 1>} : vector<256x128xi32>
    %add3A_1025 = arith.constant 6272 : i32
    %add3A_1026 = vector.broadcast %add3A_1025 : i32 to vector<256x128xi32>
    %add3A_1027 = arith.addi %iota3A_1024, %add3A_1026 : vector<256x128xi32>
    %lt3A_1028 = arith.cmpf olt, %sub3A_1023, %select_n3A_1012 : vector<256x128xf32>
    %select_n3A_1029 = arith.select %lt3A_1028, %add3A_1027, %select_n3A_1011 : vector<256x128xi1>, vector<256x128xi32>
    %select_n3A_1030 = arith.select %lt3A_1028, %sub3A_1023, %select_n3A_1012 : vector<256x128xi1>, vector<256x128xf32>
    %get3A_1031 = arith.constant 0 : index
    %get3A_1032 = arith.constant 6400 : index
    %get3A_1033 = vector.load %arg4[%get3A_1031, %get3A_1032] : memref<1x8192xf32, #tpu.memory_space<vmem>>, vector<1x128xf32>
    %add3A_1034 = vector.broadcast %get3A_4 : vector<256x1xf32> to vector<256x128xf32>
    %add3A_1035 = vector.broadcast %get3A_1033 : vector<1x128xf32> to vector<256x128xf32>
    %add3A_1036 = arith.addf %add3A_1034, %add3A_1035 : vector<256x128xf32>
    %slice3A_1037 = vector.extract_strided_slice %dot_general3A_994 {offsets = [0, 256], sizes = [256, 128], strides = [1, 1]} : vector<256x1024xf32> to vector<256x128xf32>
    %mul3A_1038 = arith.constant 2.000000e+00 : f32
    %mul3A_1039 = vector.broadcast %mul3A_1038 : f32 to vector<256x128xf32>
    %mul3A_1040 = arith.mulf %mul3A_1039, %slice3A_1037 : vector<256x128xf32>
    %sub3A_1041 = arith.subf %add3A_1036, %mul3A_1040 : vector<256x128xf32>
    %iota3A_1042 = tpu.iota {dimensions = array<i32: 1>} : vector<256x128xi32>
    %add3A_1043 = arith.constant 6400 : i32
    %add3A_1044 = vector.broadcast %add3A_1043 : i32 to vector<256x128xi32>
    %add3A_1045 = arith.addi %iota3A_1042, %add3A_1044 : vector<256x128xi32>
    %lt3A_1046 = arith.cmpf olt, %sub3A_1041, %select_n3A_1030 : vector<256x128xf32>
    %select_n3A_1047 = arith.select %lt3A_1046, %add3A_1045, %select_n3A_1029 : vector<256x128xi1>, vector<256x128xi32>
    %select_n3A_1048 = arith.select %lt3A_1046, %sub3A_1041, %select_n3A_1030 : vector<256x128xi1>, vector<256x128xf32>
    %get3A_1049 = arith.constant 0 : index
    %get3A_1050 = arith.constant 6528 : index
    %get3A_1051 = vector.load %arg4[%get3A_1049, %get3A_1050] : memref<1x8192xf32, #tpu.memory_space<vmem>>, vector<1x128xf32>
    %add3A_1052 = vector.broadcast %get3A_4 : vector<256x1xf32> to vector<256x128xf32>
    %add3A_1053 = vector.broadcast %get3A_1051 : vector<1x128xf32> to vector<256x128xf32>
    %add3A_1054 = arith.addf %add3A_1052, %add3A_1053 : vector<256x128xf32>
    %slice3A_1055 = vector.extract_strided_slice %dot_general3A_994 {offsets = [0, 384], sizes = [256, 128], strides = [1, 1]} : vector<256x1024xf32> to vector<256x128xf32>
    %mul3A_1056 = arith.constant 2.000000e+00 : f32
    %mul3A_1057 = vector.broadcast %mul3A_1056 : f32 to vector<256x128xf32>
    %mul3A_1058 = arith.mulf %mul3A_1057, %slice3A_1055 : vector<256x128xf32>
    %sub3A_1059 = arith.subf %add3A_1054, %mul3A_1058 : vector<256x128xf32>
    %iota3A_1060 = tpu.iota {dimensions = array<i32: 1>} : vector<256x128xi32>
    %add3A_1061 = arith.constant 6528 : i32
    %add3A_1062 = vector.broadcast %add3A_1061 : i32 to vector<256x128xi32>
    %add3A_1063 = arith.addi %iota3A_1060, %add3A_1062 : vector<256x128xi32>
    %lt3A_1064 = arith.cmpf olt, %sub3A_1059, %select_n3A_1048 : vector<256x128xf32>
    %select_n3A_1065 = arith.select %lt3A_1064, %add3A_1063, %select_n3A_1047 : vector<256x128xi1>, vector<256x128xi32>
    %select_n3A_1066 = arith.select %lt3A_1064, %sub3A_1059, %select_n3A_1048 : vector<256x128xi1>, vector<256x128xf32>
    %get3A_1067 = arith.constant 0 : index
    %get3A_1068 = arith.constant 6656 : index
    %get3A_1069 = vector.load %arg4[%get3A_1067, %get3A_1068] : memref<1x8192xf32, #tpu.memory_space<vmem>>, vector<1x128xf32>
    %add3A_1070 = vector.broadcast %get3A_4 : vector<256x1xf32> to vector<256x128xf32>
    %add3A_1071 = vector.broadcast %get3A_1069 : vector<1x128xf32> to vector<256x128xf32>
    %add3A_1072 = arith.addf %add3A_1070, %add3A_1071 : vector<256x128xf32>
    %slice3A_1073 = vector.extract_strided_slice %dot_general3A_994 {offsets = [0, 512], sizes = [256, 128], strides = [1, 1]} : vector<256x1024xf32> to vector<256x128xf32>
    %mul3A_1074 = arith.constant 2.000000e+00 : f32
    %mul3A_1075 = vector.broadcast %mul3A_1074 : f32 to vector<256x128xf32>
    %mul3A_1076 = arith.mulf %mul3A_1075, %slice3A_1073 : vector<256x128xf32>
    %sub3A_1077 = arith.subf %add3A_1072, %mul3A_1076 : vector<256x128xf32>
    %iota3A_1078 = tpu.iota {dimensions = array<i32: 1>} : vector<256x128xi32>
    %add3A_1079 = arith.constant 6656 : i32
    %add3A_1080 = vector.broadcast %add3A_1079 : i32 to vector<256x128xi32>
    %add3A_1081 = arith.addi %iota3A_1078, %add3A_1080 : vector<256x128xi32>
    %lt3A_1082 = arith.cmpf olt, %sub3A_1077, %select_n3A_1066 : vector<256x128xf32>
    %select_n3A_1083 = arith.select %lt3A_1082, %add3A_1081, %select_n3A_1065 : vector<256x128xi1>, vector<256x128xi32>
    %select_n3A_1084 = arith.select %lt3A_1082, %sub3A_1077, %select_n3A_1066 : vector<256x128xi1>, vector<256x128xf32>
    %get3A_1085 = arith.constant 0 : index
    %get3A_1086 = arith.constant 6784 : index
    %get3A_1087 = vector.load %arg4[%get3A_1085, %get3A_1086] : memref<1x8192xf32, #tpu.memory_space<vmem>>, vector<1x128xf32>
    %add3A_1088 = vector.broadcast %get3A_4 : vector<256x1xf32> to vector<256x128xf32>
    %add3A_1089 = vector.broadcast %get3A_1087 : vector<1x128xf32> to vector<256x128xf32>
    %add3A_1090 = arith.addf %add3A_1088, %add3A_1089 : vector<256x128xf32>
    %slice3A_1091 = vector.extract_strided_slice %dot_general3A_994 {offsets = [0, 640], sizes = [256, 128], strides = [1, 1]} : vector<256x1024xf32> to vector<256x128xf32>
    %mul3A_1092 = arith.constant 2.000000e+00 : f32
    %mul3A_1093 = vector.broadcast %mul3A_1092 : f32 to vector<256x128xf32>
    %mul3A_1094 = arith.mulf %mul3A_1093, %slice3A_1091 : vector<256x128xf32>
    %sub3A_1095 = arith.subf %add3A_1090, %mul3A_1094 : vector<256x128xf32>
    %iota3A_1096 = tpu.iota {dimensions = array<i32: 1>} : vector<256x128xi32>
    %add3A_1097 = arith.constant 6784 : i32
    %add3A_1098 = vector.broadcast %add3A_1097 : i32 to vector<256x128xi32>
    %add3A_1099 = arith.addi %iota3A_1096, %add3A_1098 : vector<256x128xi32>
    %lt3A_1100 = arith.cmpf olt, %sub3A_1095, %select_n3A_1084 : vector<256x128xf32>
    %select_n3A_1101 = arith.select %lt3A_1100, %add3A_1099, %select_n3A_1083 : vector<256x128xi1>, vector<256x128xi32>
    %select_n3A_1102 = arith.select %lt3A_1100, %sub3A_1095, %select_n3A_1084 : vector<256x128xi1>, vector<256x128xf32>
    %get3A_1103 = arith.constant 0 : index
    %get3A_1104 = arith.constant 6912 : index
    %get3A_1105 = vector.load %arg4[%get3A_1103, %get3A_1104] : memref<1x8192xf32, #tpu.memory_space<vmem>>, vector<1x128xf32>
    %add3A_1106 = vector.broadcast %get3A_4 : vector<256x1xf32> to vector<256x128xf32>
    %add3A_1107 = vector.broadcast %get3A_1105 : vector<1x128xf32> to vector<256x128xf32>
    %add3A_1108 = arith.addf %add3A_1106, %add3A_1107 : vector<256x128xf32>
    %slice3A_1109 = vector.extract_strided_slice %dot_general3A_994 {offsets = [0, 768], sizes = [256, 128], strides = [1, 1]} : vector<256x1024xf32> to vector<256x128xf32>
    %mul3A_1110 = arith.constant 2.000000e+00 : f32
    %mul3A_1111 = vector.broadcast %mul3A_1110 : f32 to vector<256x128xf32>
    %mul3A_1112 = arith.mulf %mul3A_1111, %slice3A_1109 : vector<256x128xf32>
    %sub3A_1113 = arith.subf %add3A_1108, %mul3A_1112 : vector<256x128xf32>
    %iota3A_1114 = tpu.iota {dimensions = array<i32: 1>} : vector<256x128xi32>
    %add3A_1115 = arith.constant 6912 : i32
    %add3A_1116 = vector.broadcast %add3A_1115 : i32 to vector<256x128xi32>
    %add3A_1117 = arith.addi %iota3A_1114, %add3A_1116 : vector<256x128xi32>
    %lt3A_1118 = arith.cmpf olt, %sub3A_1113, %select_n3A_1102 : vector<256x128xf32>
    %select_n3A_1119 = arith.select %lt3A_1118, %add3A_1117, %select_n3A_1101 : vector<256x128xi1>, vector<256x128xi32>
    %select_n3A_1120 = arith.select %lt3A_1118, %sub3A_1113, %select_n3A_1102 : vector<256x128xi1>, vector<256x128xf32>
    %get3A_1121 = arith.constant 0 : index
    %get3A_1122 = arith.constant 7040 : index
    %get3A_1123 = vector.load %arg4[%get3A_1121, %get3A_1122] : memref<1x8192xf32, #tpu.memory_space<vmem>>, vector<1x128xf32>
    %add3A_1124 = vector.broadcast %get3A_4 : vector<256x1xf32> to vector<256x128xf32>
    %add3A_1125 = vector.broadcast %get3A_1123 : vector<1x128xf32> to vector<256x128xf32>
    %add3A_1126 = arith.addf %add3A_1124, %add3A_1125 : vector<256x128xf32>
    %slice3A_1127 = vector.extract_strided_slice %dot_general3A_994 {offsets = [0, 896], sizes = [256, 128], strides = [1, 1]} : vector<256x1024xf32> to vector<256x128xf32>
    %mul3A_1128 = arith.constant 2.000000e+00 : f32
    %mul3A_1129 = vector.broadcast %mul3A_1128 : f32 to vector<256x128xf32>
    %mul3A_1130 = arith.mulf %mul3A_1129, %slice3A_1127 : vector<256x128xf32>
    %sub3A_1131 = arith.subf %add3A_1126, %mul3A_1130 : vector<256x128xf32>
    %iota3A_1132 = tpu.iota {dimensions = array<i32: 1>} : vector<256x128xi32>
    %add3A_1133 = arith.constant 7040 : i32
    %add3A_1134 = vector.broadcast %add3A_1133 : i32 to vector<256x128xi32>
    %add3A_1135 = arith.addi %iota3A_1132, %add3A_1134 : vector<256x128xi32>
    %lt3A_1136 = arith.cmpf olt, %sub3A_1131, %select_n3A_1120 : vector<256x128xf32>
    %select_n3A_1137 = arith.select %lt3A_1136, %add3A_1135, %select_n3A_1119 : vector<256x128xi1>, vector<256x128xi32>
    %select_n3A_1138 = arith.select %lt3A_1136, %sub3A_1131, %select_n3A_1120 : vector<256x128xi1>, vector<256x128xf32>
    %get3A_1139 = arith.constant 7168 : index
    %get3A_1140 = arith.constant 0 : index
    %get3A_1141 = vector.load %arg2[%get3A_1139, %get3A_1140] : memref<8192x256xf32, #tpu.memory_space<vmem>>, vector<1024x256xf32>
    %convert_element_type3A_1142 = arith.truncf %get3A_1141 : vector<1024x256xf32> to vector<1024x256xbf16>
    %dot_general3A_1143 = arith.constant dense<0.000000e+00> : vector<256x1024xf32>
    %dot_general3A_1144 = tpu.matmul %convert_element_type3A, %convert_element_type3A_1142, %dot_general3A_1143 {dimension_numbers = #tpu.dot_dimension_numbers<[1], [1], [0], [0], [0, 0, 1, 0], [], []>, transpose_lhs_hint = false} : vector<256x256xbf16>, vector<1024x256xbf16>, vector<256x1024xf32> -> vector<256x1024xf32>
    %get3A_1145 = arith.constant 0 : index
    %get3A_1146 = arith.constant 7168 : index
    %get3A_1147 = vector.load %arg4[%get3A_1145, %get3A_1146] : memref<1x8192xf32, #tpu.memory_space<vmem>>, vector<1x128xf32>
    %add3A_1148 = vector.broadcast %get3A_4 : vector<256x1xf32> to vector<256x128xf32>
    %add3A_1149 = vector.broadcast %get3A_1147 : vector<1x128xf32> to vector<256x128xf32>
    %add3A_1150 = arith.addf %add3A_1148, %add3A_1149 : vector<256x128xf32>
    %slice3A_1151 = vector.extract_strided_slice %dot_general3A_1144 {offsets = [0, 0], sizes = [256, 128], strides = [1, 1]} : vector<256x1024xf32> to vector<256x128xf32>
    %mul3A_1152 = arith.constant 2.000000e+00 : f32
    %mul3A_1153 = vector.broadcast %mul3A_1152 : f32 to vector<256x128xf32>
    %mul3A_1154 = arith.mulf %mul3A_1153, %slice3A_1151 : vector<256x128xf32>
    %sub3A_1155 = arith.subf %add3A_1150, %mul3A_1154 : vector<256x128xf32>
    %iota3A_1156 = tpu.iota {dimensions = array<i32: 1>} : vector<256x128xi32>
    %add3A_1157 = arith.constant 7168 : i32
    %add3A_1158 = vector.broadcast %add3A_1157 : i32 to vector<256x128xi32>
    %add3A_1159 = arith.addi %iota3A_1156, %add3A_1158 : vector<256x128xi32>
    %lt3A_1160 = arith.cmpf olt, %sub3A_1155, %select_n3A_1138 : vector<256x128xf32>
    %select_n3A_1161 = arith.select %lt3A_1160, %add3A_1159, %select_n3A_1137 : vector<256x128xi1>, vector<256x128xi32>
    %select_n3A_1162 = arith.select %lt3A_1160, %sub3A_1155, %select_n3A_1138 : vector<256x128xi1>, vector<256x128xf32>
    %get3A_1163 = arith.constant 0 : index
    %get3A_1164 = arith.constant 7296 : index
    %get3A_1165 = vector.load %arg4[%get3A_1163, %get3A_1164] : memref<1x8192xf32, #tpu.memory_space<vmem>>, vector<1x128xf32>
    %add3A_1166 = vector.broadcast %get3A_4 : vector<256x1xf32> to vector<256x128xf32>
    %add3A_1167 = vector.broadcast %get3A_1165 : vector<1x128xf32> to vector<256x128xf32>
    %add3A_1168 = arith.addf %add3A_1166, %add3A_1167 : vector<256x128xf32>
    %slice3A_1169 = vector.extract_strided_slice %dot_general3A_1144 {offsets = [0, 128], sizes = [256, 128], strides = [1, 1]} : vector<256x1024xf32> to vector<256x128xf32>
    %mul3A_1170 = arith.constant 2.000000e+00 : f32
    %mul3A_1171 = vector.broadcast %mul3A_1170 : f32 to vector<256x128xf32>
    %mul3A_1172 = arith.mulf %mul3A_1171, %slice3A_1169 : vector<256x128xf32>
    %sub3A_1173 = arith.subf %add3A_1168, %mul3A_1172 : vector<256x128xf32>
    %iota3A_1174 = tpu.iota {dimensions = array<i32: 1>} : vector<256x128xi32>
    %add3A_1175 = arith.constant 7296 : i32
    %add3A_1176 = vector.broadcast %add3A_1175 : i32 to vector<256x128xi32>
    %add3A_1177 = arith.addi %iota3A_1174, %add3A_1176 : vector<256x128xi32>
    %lt3A_1178 = arith.cmpf olt, %sub3A_1173, %select_n3A_1162 : vector<256x128xf32>
    %select_n3A_1179 = arith.select %lt3A_1178, %add3A_1177, %select_n3A_1161 : vector<256x128xi1>, vector<256x128xi32>
    %select_n3A_1180 = arith.select %lt3A_1178, %sub3A_1173, %select_n3A_1162 : vector<256x128xi1>, vector<256x128xf32>
    %get3A_1181 = arith.constant 0 : index
    %get3A_1182 = arith.constant 7424 : index
    %get3A_1183 = vector.load %arg4[%get3A_1181, %get3A_1182] : memref<1x8192xf32, #tpu.memory_space<vmem>>, vector<1x128xf32>
    %add3A_1184 = vector.broadcast %get3A_4 : vector<256x1xf32> to vector<256x128xf32>
    %add3A_1185 = vector.broadcast %get3A_1183 : vector<1x128xf32> to vector<256x128xf32>
    %add3A_1186 = arith.addf %add3A_1184, %add3A_1185 : vector<256x128xf32>
    %slice3A_1187 = vector.extract_strided_slice %dot_general3A_1144 {offsets = [0, 256], sizes = [256, 128], strides = [1, 1]} : vector<256x1024xf32> to vector<256x128xf32>
    %mul3A_1188 = arith.constant 2.000000e+00 : f32
    %mul3A_1189 = vector.broadcast %mul3A_1188 : f32 to vector<256x128xf32>
    %mul3A_1190 = arith.mulf %mul3A_1189, %slice3A_1187 : vector<256x128xf32>
    %sub3A_1191 = arith.subf %add3A_1186, %mul3A_1190 : vector<256x128xf32>
    %iota3A_1192 = tpu.iota {dimensions = array<i32: 1>} : vector<256x128xi32>
    %add3A_1193 = arith.constant 7424 : i32
    %add3A_1194 = vector.broadcast %add3A_1193 : i32 to vector<256x128xi32>
    %add3A_1195 = arith.addi %iota3A_1192, %add3A_1194 : vector<256x128xi32>
    %lt3A_1196 = arith.cmpf olt, %sub3A_1191, %select_n3A_1180 : vector<256x128xf32>
    %select_n3A_1197 = arith.select %lt3A_1196, %add3A_1195, %select_n3A_1179 : vector<256x128xi1>, vector<256x128xi32>
    %select_n3A_1198 = arith.select %lt3A_1196, %sub3A_1191, %select_n3A_1180 : vector<256x128xi1>, vector<256x128xf32>
    %get3A_1199 = arith.constant 0 : index
    %get3A_1200 = arith.constant 7552 : index
    %get3A_1201 = vector.load %arg4[%get3A_1199, %get3A_1200] : memref<1x8192xf32, #tpu.memory_space<vmem>>, vector<1x128xf32>
    %add3A_1202 = vector.broadcast %get3A_4 : vector<256x1xf32> to vector<256x128xf32>
    %add3A_1203 = vector.broadcast %get3A_1201 : vector<1x128xf32> to vector<256x128xf32>
    %add3A_1204 = arith.addf %add3A_1202, %add3A_1203 : vector<256x128xf32>
    %slice3A_1205 = vector.extract_strided_slice %dot_general3A_1144 {offsets = [0, 384], sizes = [256, 128], strides = [1, 1]} : vector<256x1024xf32> to vector<256x128xf32>
    %mul3A_1206 = arith.constant 2.000000e+00 : f32
    %mul3A_1207 = vector.broadcast %mul3A_1206 : f32 to vector<256x128xf32>
    %mul3A_1208 = arith.mulf %mul3A_1207, %slice3A_1205 : vector<256x128xf32>
    %sub3A_1209 = arith.subf %add3A_1204, %mul3A_1208 : vector<256x128xf32>
    %iota3A_1210 = tpu.iota {dimensions = array<i32: 1>} : vector<256x128xi32>
    %add3A_1211 = arith.constant 7552 : i32
    %add3A_1212 = vector.broadcast %add3A_1211 : i32 to vector<256x128xi32>
    %add3A_1213 = arith.addi %iota3A_1210, %add3A_1212 : vector<256x128xi32>
    %lt3A_1214 = arith.cmpf olt, %sub3A_1209, %select_n3A_1198 : vector<256x128xf32>
    %select_n3A_1215 = arith.select %lt3A_1214, %add3A_1213, %select_n3A_1197 : vector<256x128xi1>, vector<256x128xi32>
    %select_n3A_1216 = arith.select %lt3A_1214, %sub3A_1209, %select_n3A_1198 : vector<256x128xi1>, vector<256x128xf32>
    %get3A_1217 = arith.constant 0 : index
    %get3A_1218 = arith.constant 7680 : index
    %get3A_1219 = vector.load %arg4[%get3A_1217, %get3A_1218] : memref<1x8192xf32, #tpu.memory_space<vmem>>, vector<1x128xf32>
    %add3A_1220 = vector.broadcast %get3A_4 : vector<256x1xf32> to vector<256x128xf32>
    %add3A_1221 = vector.broadcast %get3A_1219 : vector<1x128xf32> to vector<256x128xf32>
    %add3A_1222 = arith.addf %add3A_1220, %add3A_1221 : vector<256x128xf32>
    %slice3A_1223 = vector.extract_strided_slice %dot_general3A_1144 {offsets = [0, 512], sizes = [256, 128], strides = [1, 1]} : vector<256x1024xf32> to vector<256x128xf32>
    %mul3A_1224 = arith.constant 2.000000e+00 : f32
    %mul3A_1225 = vector.broadcast %mul3A_1224 : f32 to vector<256x128xf32>
    %mul3A_1226 = arith.mulf %mul3A_1225, %slice3A_1223 : vector<256x128xf32>
    %sub3A_1227 = arith.subf %add3A_1222, %mul3A_1226 : vector<256x128xf32>
    %iota3A_1228 = tpu.iota {dimensions = array<i32: 1>} : vector<256x128xi32>
    %add3A_1229 = arith.constant 7680 : i32
    %add3A_1230 = vector.broadcast %add3A_1229 : i32 to vector<256x128xi32>
    %add3A_1231 = arith.addi %iota3A_1228, %add3A_1230 : vector<256x128xi32>
    %lt3A_1232 = arith.cmpf olt, %sub3A_1227, %select_n3A_1216 : vector<256x128xf32>
    %select_n3A_1233 = arith.select %lt3A_1232, %add3A_1231, %select_n3A_1215 : vector<256x128xi1>, vector<256x128xi32>
    %select_n3A_1234 = arith.select %lt3A_1232, %sub3A_1227, %select_n3A_1216 : vector<256x128xi1>, vector<256x128xf32>
    %get3A_1235 = arith.constant 0 : index
    %get3A_1236 = arith.constant 7808 : index
    %get3A_1237 = vector.load %arg4[%get3A_1235, %get3A_1236] : memref<1x8192xf32, #tpu.memory_space<vmem>>, vector<1x128xf32>
    %add3A_1238 = vector.broadcast %get3A_4 : vector<256x1xf32> to vector<256x128xf32>
    %add3A_1239 = vector.broadcast %get3A_1237 : vector<1x128xf32> to vector<256x128xf32>
    %add3A_1240 = arith.addf %add3A_1238, %add3A_1239 : vector<256x128xf32>
    %slice3A_1241 = vector.extract_strided_slice %dot_general3A_1144 {offsets = [0, 640], sizes = [256, 128], strides = [1, 1]} : vector<256x1024xf32> to vector<256x128xf32>
    %mul3A_1242 = arith.constant 2.000000e+00 : f32
    %mul3A_1243 = vector.broadcast %mul3A_1242 : f32 to vector<256x128xf32>
    %mul3A_1244 = arith.mulf %mul3A_1243, %slice3A_1241 : vector<256x128xf32>
    %sub3A_1245 = arith.subf %add3A_1240, %mul3A_1244 : vector<256x128xf32>
    %iota3A_1246 = tpu.iota {dimensions = array<i32: 1>} : vector<256x128xi32>
    %add3A_1247 = arith.constant 7808 : i32
    %add3A_1248 = vector.broadcast %add3A_1247 : i32 to vector<256x128xi32>
    %add3A_1249 = arith.addi %iota3A_1246, %add3A_1248 : vector<256x128xi32>
    %lt3A_1250 = arith.cmpf olt, %sub3A_1245, %select_n3A_1234 : vector<256x128xf32>
    %select_n3A_1251 = arith.select %lt3A_1250, %add3A_1249, %select_n3A_1233 : vector<256x128xi1>, vector<256x128xi32>
    %select_n3A_1252 = arith.select %lt3A_1250, %sub3A_1245, %select_n3A_1234 : vector<256x128xi1>, vector<256x128xf32>
    %get3A_1253 = arith.constant 0 : index
    %get3A_1254 = arith.constant 7936 : index
    %get3A_1255 = vector.load %arg4[%get3A_1253, %get3A_1254] : memref<1x8192xf32, #tpu.memory_space<vmem>>, vector<1x128xf32>
    %add3A_1256 = vector.broadcast %get3A_4 : vector<256x1xf32> to vector<256x128xf32>
    %add3A_1257 = vector.broadcast %get3A_1255 : vector<1x128xf32> to vector<256x128xf32>
    %add3A_1258 = arith.addf %add3A_1256, %add3A_1257 : vector<256x128xf32>
    %slice3A_1259 = vector.extract_strided_slice %dot_general3A_1144 {offsets = [0, 768], sizes = [256, 128], strides = [1, 1]} : vector<256x1024xf32> to vector<256x128xf32>
    %mul3A_1260 = arith.constant 2.000000e+00 : f32
    %mul3A_1261 = vector.broadcast %mul3A_1260 : f32 to vector<256x128xf32>
    %mul3A_1262 = arith.mulf %mul3A_1261, %slice3A_1259 : vector<256x128xf32>
    %sub3A_1263 = arith.subf %add3A_1258, %mul3A_1262 : vector<256x128xf32>
    %iota3A_1264 = tpu.iota {dimensions = array<i32: 1>} : vector<256x128xi32>
    %add3A_1265 = arith.constant 7936 : i32
    %add3A_1266 = vector.broadcast %add3A_1265 : i32 to vector<256x128xi32>
    %add3A_1267 = arith.addi %iota3A_1264, %add3A_1266 : vector<256x128xi32>
    %lt3A_1268 = arith.cmpf olt, %sub3A_1263, %select_n3A_1252 : vector<256x128xf32>
    %select_n3A_1269 = arith.select %lt3A_1268, %add3A_1267, %select_n3A_1251 : vector<256x128xi1>, vector<256x128xi32>
    %select_n3A_1270 = arith.select %lt3A_1268, %sub3A_1263, %select_n3A_1252 : vector<256x128xi1>, vector<256x128xf32>
    %get3A_1271 = arith.constant 0 : index
    %get3A_1272 = arith.constant 8064 : index
    %get3A_1273 = vector.load %arg4[%get3A_1271, %get3A_1272] : memref<1x8192xf32, #tpu.memory_space<vmem>>, vector<1x128xf32>
    %add3A_1274 = vector.broadcast %get3A_4 : vector<256x1xf32> to vector<256x128xf32>
    %add3A_1275 = vector.broadcast %get3A_1273 : vector<1x128xf32> to vector<256x128xf32>
    %add3A_1276 = arith.addf %add3A_1274, %add3A_1275 : vector<256x128xf32>
    %slice3A_1277 = vector.extract_strided_slice %dot_general3A_1144 {offsets = [0, 896], sizes = [256, 128], strides = [1, 1]} : vector<256x1024xf32> to vector<256x128xf32>
    %mul3A_1278 = arith.constant 2.000000e+00 : f32
    %mul3A_1279 = vector.broadcast %mul3A_1278 : f32 to vector<256x128xf32>
    %mul3A_1280 = arith.mulf %mul3A_1279, %slice3A_1277 : vector<256x128xf32>
    %sub3A_1281 = arith.subf %add3A_1276, %mul3A_1280 : vector<256x128xf32>
    %iota3A_1282 = tpu.iota {dimensions = array<i32: 1>} : vector<256x128xi32>
    %add3A_1283 = arith.constant 8064 : i32
    %add3A_1284 = vector.broadcast %add3A_1283 : i32 to vector<256x128xi32>
    %add3A_1285 = arith.addi %iota3A_1282, %add3A_1284 : vector<256x128xi32>
    %lt3A_1286 = arith.cmpf olt, %sub3A_1281, %select_n3A_1270 : vector<256x128xf32>
    %select_n3A_1287 = arith.select %lt3A_1286, %add3A_1285, %select_n3A_1269 : vector<256x128xi1>, vector<256x128xi32>
    %select_n3A_1288 = arith.select %lt3A_1286, %sub3A_1281, %select_n3A_1270 : vector<256x128xi1>, vector<256x128xf32>
    %reduce_min3A_1289 = arith.constant dense<0x7F800000> : vector<256xf32>
    %reduce_min3A_1290 = vector.multi_reduction <minimumf>, %select_n3A_1288, %reduce_min3A_1289 [1] : vector<256x128xf32> to vector<256xf32>
    %broadcast_in_dim3A_1291 = vector.shape_cast %reduce_min3A_1290 : vector<256xf32> to vector<256x1xf32>
    %eq3A_1292 = vector.broadcast %broadcast_in_dim3A_1291 : vector<256x1xf32> to vector<256x128xf32>
    %eq3A_1293 = arith.cmpf oeq, %select_n3A_1288, %eq3A_1292 : vector<256x128xf32>
    %jit3A_1294 = arith.constant 2147483647 : i32
    %broadcast_in_dim3A_1295 = vector.broadcast %jit3A_1294 : i32 to vector<256x128xi32>
    %select_n3A_1296 = arith.select %eq3A_1293, %select_n3A_1287, %broadcast_in_dim3A_1295 : vector<256x128xi1>, vector<256x128xi32>
    %reduce_min3A_1297 = arith.constant dense<2147483647> : vector<256xi32>
    %reduce_min3A_1298 = vector.multi_reduction <minsi>, %select_n3A_1296, %reduce_min3A_1297 [1] : vector<256x128xi32> to vector<256xi32>
    %broadcast_in_dim3A_1299 = vector.shape_cast %reduce_min3A_1298 : vector<256xi32> to vector<256x1xi32>
    %lt3A_1300 = arith.cmpf olt, %broadcast_in_dim3A_1291, %convert_element_type3A_880 : vector<256x1xf32>
    %select_n3A_1301 = arith.select %lt3A_1300, %broadcast_in_dim3A_1299, %select_n3A_878 : vector<256x1xi1>, vector<256x1xi32>
    %broadcast_in_dim3A_1302 = vector.shape_cast %select_n3A_1301 : vector<256x1xi32> to vector<256x1xi32>
    %broadcast_in_dim3A_1303 = vector.broadcast %broadcast_in_dim3A_1302 : vector<256x1xi32> to vector<256x8xi32>
    %swap3A = arith.constant 0 : index
    %swap3A_1304 = arith.constant 0 : index
    %swap3A_1305 = vector.load %arg5[%swap3A, %swap3A_1304] : memref<256x8xi32, #tpu.memory_space<vmem>>, vector<256x8xi32>
    tpu.vector_store %arg5[%swap3A, %swap3A_1304], %broadcast_in_dim3A_1303 {strides = array<i32>} : memref<256x8xi32, #tpu.memory_space<vmem>>, vector<256x8xi32>,
    return
  }
  func.func @transform_0(%arg0: i32) -> (i32, i32) {
    %c0_i32 = arith.constant 0 : i32
    %c0_i32_0 = arith.constant 0 : i32
    return %arg0, %c0_i32 : i32, i32
  }
  func.func @transform_1(%arg0: i32) -> (i32, i32) {
    %c0_i32 = arith.constant 0 : i32
    %c0_i32_0 = arith.constant 0 : i32
    %c0_i32_1 = arith.constant 0 : i32
    return %c0_i32, %c0_i32_0 : i32, i32
  }
  func.func @transform_2(%arg0: i32) -> (i32, i32) {
    %c0_i32 = arith.constant 0 : i32
    %c0_i32_0 = arith.constant 0 : i32
    return %arg0, %c0_i32 : i32, i32
  }
  func.func @transform_3(%arg0: i32) -> (i32, i32) {
    %c0_i32 = arith.constant 0 : i32
    %c0_i32_0 = arith.constant 0 : i32
    %c0_i32_1 = arith.constant 0 : i32
    return %c0_i32, %c0_i32_0 : i32, i32
  }
  func.func @transform_4(%arg0: i32) -> (i32, i32) {
    %c0_i32 = arith.constant 0 : i32
    %c0_i32_0 = arith.constant 0 : i32
    return %arg0, %c0_i32 : i32, i32
  }
}

</mosaic_0001>

<sc_bundles>
// kernel: kernel.4.cloned.1.call-start
scs
__scs_entry_jumppad:
0x0: {  	(pc) =	sbr.rel $0x88, $3  }
0x1: {  	(tag) =	ssettag $0x0;
	lr =	simm.s32 $0x1  }
0x2: {  	[smem:$0x3F9F] =	sst lr;
	_ =	strace $0xD0000000  }
0x3: {  	_ = 	snop  }
0x4: {  	_ = 	snop  }
0x5: {  	_ = 	snop  }
0x6: {  	_ = 	snop  }
0x7: {  	_ = 	snop  }
__scs_overlays_trampoline_lowered:
0x8: {  	[smem:$0x3FAE] =	sst s0  }
0x9: {  	[smem:$0x3FAF] =	sst s1  }
0xa: {  	[smem:$0x3FB0] =	sst s2  }
0xb: {  	[smem:$0x3FB1] =	sst s3  }
0xc: {  	[smem:$0x3FB2] =	sst s4  }
0xd: {  	[smem:$0x3FB3] =	sst s5  }
0xe: {  	[smem:$0x3FB4] =	sst s6  }
0xf: {  	[smem:$0x3FB5] =	sst s7  }
0x10: {  	[smem:$0x3FB6] =	sst s8  }
0x11: {  	[smem:$0x3FB7] =	sst s9;
	s0 =	simm.s32 @!p0 $0x0  }
0x12: {  	s1 =	sld [smem:$0x3F9D];
	s0 =	simm.s32 @p0 $0x1  }
0x13: {  	[smem:$0x3FB8] =	sst s0;
	s0 =	simm.s32 @!p1 $0x0  }
0x14: {  	s2 =	sld [smem:$0x3F9C];
	s0 =	simm.s32 @p1 $0x1  }
0x15: {  	[smem:$0x3FB9] =	sst s0;
	s0 =	simm.s32 @!p2 $0x0  }
0x16: {  	s3 =	sld [smem:$0x3FDB];
	s0 =	simm.s32 @p2 $0x1  }
0x17: {  	s4 =	simm.s32 $0x1BF5;
	[smem:$0x3FBB] =	sst s0  }
0x18: {  	s0 =	sld [smem:$0x3F9E];
	_ =	swait.ge [sflag:s4], $0x0  }
0x19: {  	s7 =	sld [smem:$0x3F9F]  }
0x1a: {  	s8 =	sadd.s32 $0xFFFFE003, lr  }
0x1b: {  	s9 =	sadd.s32 $0xFFFFFEF7, lr;
	s5 =	simm.s32 $0xFFFFFFFF;
	p2 =	slt.u32 s8, $0xFFFFF086  }
0x1c: {  	p1 =	slt.u32 s9, $0xF7A;
	s5 =	simm.s32 @!p2 $0x0  }
0x1d: {  	s5 =	simm.s32 @p1 $0x1;
	p0 =	seq.s32 s7, s2  }
0x1e: {  	s7 =	smul.u32 @!p0 $0xF7A, s2;
	p2 =	seq.s32 @!p0 s5, $0x0  }
0x1f: {  	s9 =	smul.u32 $0xF7A, s1;
	s8 =	simm.s32 @!p0 $0x1BF5;
	p2 =	por !p2, p0  }
0x20: {  	[sflag:s8] =	ssyncset.s32 @!p0 $0xFFFFF086;
	s6 =	sadd.s32 @!p0 s3, s7;
	s7 =	simm.s32 @!p0 $0x108  }
0x21: {  	s3 =	sadd.s32 s3, s9;
	s6 =	sadd.s32 @!p0 $0x88, s6;
	s7 =	simm.s32 @p2 $0x1082  }
0x22: {  	[simem:s7], [sflag:s8] =	dma.local @!p0 [hbm:s6], $0xF7A  }
0x23: {  	s9 =	sor.u32 $0xD0000000, s2;
	s6 =	simm.s32 $0x108;
	_ =	swait.ge @!p0 [sflag:s8], $0x0  }
0x24: {  	s3 =	sadd.s32 $0x88, s3;
	s6 =	simm.s32 @!p1 $0x1082;
	[sflag:s4] =	ssyncset.s32 $0xFFFFF086  }
0x25: {  	[simem:s6], [sflag:s4] =	dma.local [hbm:s3], $0xF7A  }
0x26: {  	[smem:$0x3F9F] =	sst s1;
	(tag) =	ssettag s2;
	_ =	strace s9  }
0x27: {  	s1 =	sld [smem:$0x3FAF]  }
0x28: {  	s2 =	sld [smem:$0x3FB0]  }
0x29: {  	s4 =	sld [smem:$0x3FB2]  }
0x2a: {  	p0 =	seq.s32 s5, $0x0;
	s5 =	sld [smem:$0x3FB3]  }
0x2b: {  	s6 =	sld [smem:$0x3FB4]  }
0x2c: {  	s7 =	sld [smem:$0x3FB5]  }
0x2d: {  	s3 =	simm.s32 $0x108;
	s8 =	sld [smem:$0x3FB6]  }
0x2e: {  	s3 =	simm.s32 @!p0 $0x1082;
	s9 =	sld [smem:$0x3FB7]  }
0x2f: {  	lr =	sadd.s32 s0, s3;
	s0 =	sld [smem:$0x3FAE]  }
0x30: {  	s3 =	sld [smem:$0x3FB1]  }
0x31: {  	[smem:$0x3FBA] =	sst s10  }
0x32: {  	s10 =	sld [smem:$0x3FB8];
	_ =	sdelay $0x3  }
0x33: {  	p0 =	seq.s32 s10, $0x1;
	s10 =	sld [smem:$0x3FBA];
	_ =	sdelay $0x3  }
0x34: {  	[smem:$0x3FBA] =	sst s10  }
0x35: {  	s10 =	sld [smem:$0x3FB9];
	_ =	sdelay $0x3  }
0x36: {  	p1 =	seq.s32 s10, $0x1;
	s10 =	sld [smem:$0x3FBA];
	_ =	sdelay $0x3  }
0x37: {  	[smem:$0x3FBA] =	sst s10  }
0x38: {  	s10 =	sld [smem:$0x3FBB]  }
0x39: {  	_ = 	snop;
	(pc) =	sbr.ind lr, $3  }
0x3a: {  	_ = 	snop  }
0x3b: {  	_ = 	snop  }
0x3c: {  	p2 =	seq.s32 s10, $0x1;
	s10 =	sld [smem:$0x3FBA]  }
0x3d: {  	_ =	shalt  }
0x3e: {  	_ =	shalt  }
0x3f: {  	_ =	shalt  }
0x40: {  	_ =	shalt  }
0x41: {  	_ =	shalt  }
0x42: {  	_ =	shalt  }
0x43: {  	_ =	shalt  }
0x44: {  	_ =	shalt  }
0x45: {  	_ =	shalt  }
0x46: {  	_ =	shalt  }
0x47: {  	_ =	shalt  }
0x48: {  	_ =	shalt  }
0x49: {  	_ =	shalt  }
0x4a: {  	_ =	shalt  }
0x4b: {  	_ =	shalt  }
0x4c: {  	_ =	shalt  }
0x4d: {  	_ =	shalt  }
0x4e: {  	_ =	shalt  }
0x4f: {  	_ =	shalt  }
0x50: {  	_ =	shalt  }
0x51: {  	_ =	shalt  }
0x52: {  	_ =	shalt  }
0x53: {  	_ =	shalt  }
0x54: {  	_ =	shalt  }
0x55: {  	_ =	shalt  }
0x56: {  	_ =	shalt  }
0x57: {  	_ =	shalt  }
0x58: {  	_ =	shalt  }
0x59: {  	_ =	shalt  }
0x5a: {  	_ =	shalt  }
0x5b: {  	_ =	shalt  }
0x5c: {  	_ =	shalt  }
0x5d: {  	_ =	shalt  }
0x5e: {  	_ =	shalt  }
0x5f: {  	_ =	shalt  }
0x60: {  	_ =	shalt  }
0x61: {  	_ =	shalt  }
0x62: {  	_ =	shalt  }
0x63: {  	_ =	shalt  }
0x64: {  	_ =	shalt  }
0x65: {  	_ =	shalt  }
0x66: {  	_ =	shalt  }
0x67: {  	_ =	shalt  }
0x68: {  	_ =	shalt  }
0x69: {  	_ =	shalt  }
0x6a: {  	_ =	shalt  }
0x6b: {  	_ =	shalt  }
0x6c: {  	_ =	shalt  }
0x6d: {  	_ =	shalt  }
0x6e: {  	_ =	shalt  }
0x6f: {  	_ =	shalt  }
0x70: {  	_ =	shalt  }
0x71: {  	_ =	shalt  }
0x72: {  	_ =	shalt  }
0x73: {  	_ =	shalt  }
0x74: {  	_ =	shalt  }
0x75: {  	_ =	shalt  }
0x76: {  	_ =	shalt  }
0x77: {  	_ =	shalt  }
0x78: {  	_ =	shalt  }
0x79: {  	_ =	shalt  }
0x7a: {  	_ =	shalt  }
0x7b: {  	_ =	shalt  }
0x7c: {  	_ =	shalt  }
0x7d: {  	_ =	shalt  }
0x7e: {  	_ =	shalt  }
0x7f: {  	_ =	shalt  }
0x80: {  	_ =	shalt  }
0x81: {  	_ =	shalt  }
0x82: {  	_ =	shalt  }
0x83: {  	_ =	shalt  }
0x84: {  	_ =	shalt  }
0x85: {  	_ =	shalt  }
0x86: {  	_ =	shalt  }
0x87: {  	_ =	shalt  }
.Lfunc_end0:
.L_simem_size_0:
called_computation_lowered:
.L_overlay_start_0:
0x88: {  	s2 =	sld [smem:$0x3FD9]  }
0x89: {  	s3 =	sld [smem:$0x3FFE];
	_ =	sdelay $0x1  }
0x8a: {  	s1 =	srdreg.scid  }
0x8b: {  	s0 =	sand.u32 $0x1, s1  }
0x8c: {  	s15 =	sshll.u32 s0, $0xA;
	s2 =	sadd.s32 s3, s2  }
0x8d: {  	s2 =	sadd.s32 s2, s15  }
0x8e: {  	[smem:$0x3FC6] =	sst s2  }
0x8f: {  	_ = 	snop  }
0x90: {  	s2 =	sld [smem:$0x3FD0];
	_ =	sdelay $0x2  }
0x91: {  	s4 =	simm.s32 $0xA;
	s5 =	simm.s32 $0x10;
	s16 =	sld [smem:$0x3FC8]  }
0x92: {  	[smem:s5], [sflag:s4] =	dma.local [hbm:s2], $0x1  }
0x93: {  	_ =	swait.eq [sflag:s4], $0x1  }
0x94: {  	[sflag:s4] =	ssyncset.done $0x0  }
0x95: {  	s17 =	sld [smem:$0x10];
	[sflag:s4] =	ssyncadd.s32 $0xFFFFFFFF  }
0x96: {  	s18 =	sld [smem:$0x11];
	(tm) =	ssettm $0x1  }
0x97: {  	s19 =	sld [smem:$0x3FFB];
	_ =	sdelay $0x3  }
0x98: {  	_ =	strace s19  }
0x99: {  	s5 =	sld [smem:$0x3FFC];
	_ =	sdelay $0x3  }
0x9a: {  	_ =	strace s5  }
0x9b: {  	s5 =	sld [smem:$0x3FFD];
	_ =	sdelay $0x3  }
0x9c: {  	_ =	strace s5  }
0x9d: {  	_ =	strace $0x8FFFFFFF  }
0x9e: {  	s20 =	sld [smem:$0x3FDB];
	_ =	sdelay $0x1  }
0x9f: {  	s6 =	simm.s32 $_scs_section_size  }
0xa0: {  	s7 =	simm.s32 $_size__tile_overlayer_lowered;
	s8 =	simm.s32 $_tile_overlayer_lowered  }
0xa1: {  	s23 =	simm.s32 $0x1BFF;
	s22 =	sshll.u32 s8, $0x1;
	s5 =	sadd.s32 s6, s20  }
0xa2: {  	s9 =	simm.s32 $0x0;
	s21 =	sshll.u32 s7, $0x1;
	s7 =	sadd.s32 s22, s5  }
0xa3: {  	[timem:s9], [sflag:s23] =	dma.local [hbm:s7], s21  }
0xa4: {  	_ =	swait.ge [sflag:s23], s21  }
0xa5: {  	s6 =	ssub.s32 $0x0, s21;
	[sflag:s23] =	ssyncset.done $0x0  }
0xa6: {  	[sflag:s23] =	ssyncadd.s32 s6;
	_ =	sdelay $0x1  }
0xa7: {  	s24 =	simm.s32 $0x1B8B  }
0xa8: {  	_ =	swait.ge [sflag:s24], $0x1  }
0xa9: {  	[sflag:s24] =	ssyncset.done $0x0  }
0xaa: {  	s25 =	simm.s32 $0x1B8E;
	[sflag:s24] =	ssyncadd.s32 $0xFFFFFFFF  }
0xab: {  	s26 =	simm.s32 $execute0_lowered;
	[smem:$0x3FD2] =	sst s25  }
0xac: {  	s6 =	sshll.u32 s26, $0x1;
	_ =	strace $0x80000046;
	[dreg:$0x1] =	wrdreg $0xFFFFFFFF  }
0xad: {  	s28 =	simm.s32 $_size_execute0_lowered;
	s5 =	sadd.s32 s5, s6;
	[dreg:$0x0] =	wrdreg $0x0  }
0xae: {  	s6 =	sshll.u32 s28, $0x1;
	[dreg:$0x2] =	wrdreg s5  }
0xaf: {  	[dreg:$0x3] =	wrdreg s6  }
0xb0: {  	[dreg:$0x4] =	wrdreg $0xC0  }
0xb1: {  	_ =	task [dreg:s9], $0x5FFFF  }
0xb2: {  	[dreg:$0x1] =	wrdreg $0xFFFFFFFF  }
0xb3: {  	[dreg:$0x0] =	wrdreg $0x60  }
0xb4: {  	[dreg:$0x2] =	wrdreg s16  }
0xb5: {  	[dreg:$0x3] =	wrdreg s18  }
0xb6: {  	[dreg:$0x4] =	wrdreg s17  }
0xb7: {  	[dreg:$0x5] =	wrdreg $0x9  }
0xb8: {  	_ =	task.clear_ibuf [dreg:s9], $0x6FFFF;
	_ =	strace $0x90000046  }
0xb9: {  	s29 =	simm.s32 $0x9;
	_ =	strace $0x80000048  }
0xba: {  	_ =	swait.ge [sflag:s29], $0x1  }
0xbb: {  	[sflag:s29] =	ssyncadd.s32 $0xFFFFFFFF  }
0xbc: {  	_ =	strace $0x90000048  }
0xbd: {  	_ =	sfence  }
0xbe: {  	s30 =	sld [smem:$0x0];
	_ =	sdelay $0x2  }
0xbf: {  	s31 =	sshll.u32 s1, $0xD;
	s1 =	sshrl.u32 s1, $0x2  }
0xc0: {  	s3 =	sand.u32 $0x4000, s31;
	s1 =	sadd.s32 s1, s30  }
0xc1: {  	s0 =	sor.u32 s3, s0;
	s1 =	sshll.u32 s1, $0x11  }
0xc2: {  	s0 =	sor.u32 s1, s0  }
0xc3: {  	s0 =	sadd.s32 $0x8F2B, s0  }
0xc4: {  	[sflag:s0] =	ssyncadd.remote.s32 $0x1  }
0xc5: {  	_ =	sfence.sel $0xFFFF  }
0xc6: {  	[dreg:$0x0] =	wrdreg $0xFFFFFFFF;
	(pc) =	sbr.abs _section_cstart, $3  }
0xc7: {  	[dreg:$0x1] =	wrdreg $0xFFFFFFFF  }
0xc8: {  	_ =	task.clear_ibuf [dreg:s9], $0x2FFFF;
	_ =	strace $0x9FFFFFFF  }
0xc9: {  	(tm) =	ssettm $0x7FFFFFFF  }
tec
execute0_lowered:
.L_overlay_start_1:
0x0: {  	(tag) =	ssettag $0x1  }
0x1: {  	s1 =	rddreg [dreg:$0x0]  }
0x2: {  	s10 =	rddreg [dreg:$0x1]  }
0x3: {  	s11 =	rddreg [dreg:$0x2]  }
0x4: {  	s0 =	rddreg [dreg:$0x3];
	s3 =	simm.s32 $0x0;
	s4 =	srdreg.scid  }
0x5: {  	s2 =	stileid.u32;
	s15 =	simm.s32 $0x880;
	s16 =	simm.s32 $0x1080  }
0x6: {  	s17 =	simm.s32 $0x1880;
	s18 =	simm.s32 $0x2080;
	s19 =	simm.s32 $0x2880  }
0x7: {  	s20 =	simm.s32 $0x3080;
	s21 =	simm.s32 $0x3880;
	s22 =	simm.s32 $0x4080  }
0x8: {  	s28 =	simm.s32 $0x6880;
	s29 =	simm.s32 $0x7080;
	s30 =	simm.s32 $0x7880  }
0x9: {  	s31 =	simm.s32 $0x1;
	[smem:$0x7FF] =	sst s3;
	s4 =	sand.u32 $0x1, s4  }
0xa: {  	s6 =	sshll.u32 s2, $0xA;
	s5 =	ssub.s32 $0x2, s4;
	s4 =	sshll.u32 s4, $0x9  }
0xb: {  	_ =	strace $0x80000047;
	s7 =	sshrl.u32 s5, $0x1;
	s9 =	sor.u32 s4, s6  }
0xc: {  	s12 =	ssub.s32 s5, s7;
	s4 =	sshrl.u32 s9, $0x3;
	s23 =	sshll.u32 s9, $0x5  }
0xd: {  	s6 =	sor.u32 $0x80, s9;
	s13 =	sor.u32 $0x100, s9;
	s14 =	sor.u32 $0x180, s9  }
0xe: {  	s4 =	sadd.s32 s10, s4;
	s5 =	sadd.s32 s11, s23;
	s24 =	sshrl.u32 s6, $0x3  }
0xf: {  	s8 =	sshll.u32 s6, $0x5;
	s25 =	sshrl.u32 s13, $0x3;
	s13 =	sshll.u32 s13, $0x5  }
0x10: {  	s26 =	sshrl.u32 s14, $0x3;
	s14 =	sshll.u32 s14, $0x5;
	s12 =	smax.u32 s12, $0x1  }
0x11: {  	s23 =	simm.s32 $0x4880;
	s6 =	sadd.s32 s10, s24;
	s7 =	sadd.s32 s11, s8  }
0x12: {  	v2 =	vlaneseq.u32;
	s8 =	sadd.s32 s10, s25;
	s9 =	sadd.s32 s11, s13;
	s10 =	sadd.s32 s10, s26  }
0x13: {  	vm0 =	vmmov $0xffff;
	v1 =	vshrl.u32 v2, $0x3;
	s11 =	sadd.s32 s11, s14;
	s13 =	simm.s32 $0x2;
	s14 =	simm.s32 $0x80  }
0x14: {  	v0 =	vand.u32 $0x7, v2;
	v2 =	vor.u32 $0x8, v2;
	v1 =	vmul.u32 $0x8, v1;
	s24 =	simm.s32 $0x5080;
	s25 =	simm.s32 $0x5880;
	s26 =	simm.s32 $0x6080  }
.LBB2_1:
0x15: {  	[tilespmem:s3], [sflag:$0x2] =	stream.linear.gather [hbm4b:s4+s3], $0x80, $0x38;
	[tilespmem:$0x8080] =	vst v63  }
0x16: {  	_ =	swait.ge [sflag:s13], $0x80  }
0x17: {  	[sflag:s13] =	ssyncset.done $0x0  }
0x18: {  	[sflag:s13] =	ssyncadd.s32 $0xFFFFFF80  }
0x19: {  	v3 =	vld [tilespmem:$0x0];
	_ =	sdelay $0x4  }
0x1a: {  	v4 =	vshll.u32 v3, $0x1  }
0x1b: {  	v3 =	vand.u32 $0x7, v3;
	v4 =	vand.u32 $0xFFFFFFF0, v4  }
0x1c: {  	v3 =	vor.u32 v3, v4  }
0x1d: {  	v4 =	vperm.xlane v3, v0;
	_ =	sdelay $0x1  }
0x1e: {  	v3 =	vperm.xlane v3, v2;
	v4 =	vadd.s32 v1, v4;
	_ =	sdelay $0x1  }
0x1f: {  	v3 =	vadd.s32 v1, v3;
	_ =	sdelay $0x2  }
0x20: {  	[tilespmem:s14], [sflag:$0x1] =	stream.indirect_vreg.gather [hbm4b:s1+s3], $0x80, v4, vm0, $0xb8;
	[tilespmem:$0x8080] =	vst v63  }
0x21: {  	_ = 	snop  }
0x22: {  	[tilespmem:s15], [sflag:$0x1] =	stream.indirect_vreg.gather [hbm4b:s1+s3], $0x80, v3, vm0, $0xb8;
	[tilespmem:$0x8080] =	vst v63  }
0x23: {  	v3 =	vld [tilespmem:$0x10];
	_ =	sdelay $0x4  }
0x24: {  	v33 =	vshll.u32 v3, $0x1  }
0x25: {  	v3 =	vand.u32 $0x7, v3;
	v4 =	vand.u32 $0xFFFFFFF0, v33  }
0x26: {  	v3 =	vor.u32 v3, v4  }
0x27: {  	v4 =	vperm.xlane v3, v0;
	_ =	sdelay $0x1  }
0x28: {  	v3 =	vperm.xlane v3, v2;
	v4 =	vadd.s32 v1, v4;
	_ =	sdelay $0x1  }
0x29: {  	v3 =	vadd.s32 v1, v3;
	_ =	sdelay $0x2  }
0x2a: {  	[tilespmem:s16], [sflag:$0x1] =	stream.indirect_vreg.gather [hbm4b:s1+s3], $0x80, v4, vm0, $0xb8;
	[tilespmem:$0x8080] =	vst v63  }
0x2b: {  	_ = 	snop  }
0x2c: {  	[tilespmem:s17], [sflag:$0x1] =	stream.indirect_vreg.gather [hbm4b:s1+s3], $0x80, v3, vm0, $0xb8;
	[tilespmem:$0x8080] =	vst v63  }
0x2d: {  	v3 =	vld [tilespmem:$0x20];
	_ =	sdelay $0x4  }
0x2e: {  	v34 =	vshll.u32 v3, $0x1  }
0x2f: {  	v3 =	vand.u32 $0x7, v3;
	v4 =	vand.u32 $0xFFFFFFF0, v34  }
0x30: {  	v3 =	vor.u32 v3, v4  }
0x31: {  	v4 =	vperm.xlane v3, v0;
	_ =	sdelay $0x1  }
0x32: {  	v3 =	vperm.xlane v3, v2;
	v4 =	vadd.s32 v1, v4;
	_ =	sdelay $0x1  }
0x33: {  	v3 =	vadd.s32 v1, v3;
	_ =	sdelay $0x2  }
0x34: {  	[tilespmem:s18], [sflag:$0x1] =	stream.indirect_vreg.gather [hbm4b:s1+s3], $0x80, v4, vm0, $0xb8;
	[tilespmem:$0x8080] =	vst v63  }
0x35: {  	_ = 	snop  }
0x36: {  	[tilespmem:s19], [sflag:$0x1] =	stream.indirect_vreg.gather [hbm4b:s1+s3], $0x80, v3, vm0, $0xb8;
	[tilespmem:$0x8080] =	vst v63  }
0x37: {  	v3 =	vld [tilespmem:$0x30];
	_ =	sdelay $0x4  }
0x38: {  	v35 =	vshll.u32 v3, $0x1  }
0x39: {  	v3 =	vand.u32 $0x7, v3;
	v4 =	vand.u32 $0xFFFFFFF0, v35  }
0x3a: {  	v3 =	vor.u32 v3, v4  }
0x3b: {  	v4 =	vperm.xlane v3, v0;
	_ =	sdelay $0x1  }
0x3c: {  	v3 =	vperm.xlane v3, v2;
	v4 =	vadd.s32 v1, v4;
	_ =	sdelay $0x1  }
0x3d: {  	v3 =	vadd.s32 v1, v3;
	_ =	sdelay $0x2  }
0x3e: {  	[tilespmem:s20], [sflag:$0x1] =	stream.indirect_vreg.gather [hbm4b:s1+s3], $0x80, v4, vm0, $0xb8;
	[tilespmem:$0x8080] =	vst v63  }
0x3f: {  	_ = 	snop  }
0x40: {  	[tilespmem:s21], [sflag:$0x1] =	stream.indirect_vreg.gather [hbm4b:s1+s3], $0x80, v3, vm0, $0xb8;
	[tilespmem:$0x8080] =	vst v63  }
0x41: {  	v3 =	vld [tilespmem:$0x40];
	_ =	sdelay $0x4  }
0x42: {  	v36 =	vshll.u32 v3, $0x1  }
0x43: {  	v3 =	vand.u32 $0x7, v3;
	v4 =	vand.u32 $0xFFFFFFF0, v36  }
0x44: {  	v3 =	vor.u32 v3, v4  }
0x45: {  	v4 =	vperm.xlane v3, v0;
	_ =	sdelay $0x1  }
0x46: {  	v3 =	vperm.xlane v3, v2;
	v4 =	vadd.s32 v1, v4;
	_ =	sdelay $0x1  }
0x47: {  	v3 =	vadd.s32 v1, v3;
	_ =	sdelay $0x2  }
0x48: {  	[tilespmem:s22], [sflag:$0x1] =	stream.indirect_vreg.gather [hbm4b:s1+s3], $0x80, v4, vm0, $0xb8;
	[tilespmem:$0x8080] =	vst v63  }
0x49: {  	_ = 	snop  }
0x4a: {  	[tilespmem:s23], [sflag:$0x1] =	stream.indirect_vreg.gather [hbm4b:s1+s3], $0x80, v3, vm0, $0xb8;
	[tilespmem:$0x8080] =	vst v63  }
0x4b: {  	v3 =	vld [tilespmem:$0x50];
	_ =	sdelay $0x4  }
0x4c: {  	v37 =	vshll.u32 v3, $0x1  }
0x4d: {  	v3 =	vand.u32 $0x7, v3;
	v4 =	vand.u32 $0xFFFFFFF0, v37  }
0x4e: {  	v3 =	vor.u32 v3, v4  }
0x4f: {  	v4 =	vperm.xlane v3, v0;
	_ =	sdelay $0x1  }
0x50: {  	v3 =	vperm.xlane v3, v2;
	v4 =	vadd.s32 v1, v4;
	_ =	sdelay $0x1  }
0x51: {  	v3 =	vadd.s32 v1, v3;
	_ =	sdelay $0x2  }
0x52: {  	[tilespmem:s24], [sflag:$0x1] =	stream.indirect_vreg.gather [hbm4b:s1+s3], $0x80, v4, vm0, $0xb8;
	[tilespmem:$0x8080] =	vst v63  }
0x53: {  	_ = 	snop  }
0x54: {  	[tilespmem:s25], [sflag:$0x1] =	stream.indirect_vreg.gather [hbm4b:s1+s3], $0x80, v3, vm0, $0xb8;
	[tilespmem:$0x8080] =	vst v63  }
0x55: {  	v3 =	vld [tilespmem:$0x60];
	_ =	sdelay $0x4  }
0x56: {  	v38 =	vshll.u32 v3, $0x1  }
0x57: {  	v3 =	vand.u32 $0x7, v3;
	v4 =	vand.u32 $0xFFFFFFF0, v38  }
0x58: {  	v3 =	vor.u32 v3, v4  }
0x59: {  	v4 =	vperm.xlane v3, v0;
	_ =	sdelay $0x1  }
0x5a: {  	v3 =	vperm.xlane v3, v2;
	v4 =	vadd.s32 v1, v4;
	_ =	sdelay $0x1  }
0x5b: {  	v3 =	vadd.s32 v1, v3;
	_ =	sdelay $0x2  }
0x5c: {  	[tilespmem:s26], [sflag:$0x1] =	stream.indirect_vreg.gather [hbm4b:s1+s3], $0x80, v4, vm0, $0xb8;
	[tilespmem:$0x8080] =	vst v63  }
0x5d: {  	_ = 	snop  }
0x5e: {  	[tilespmem:s28], [sflag:$0x1] =	stream.indirect_vreg.gather [hbm4b:s1+s3], $0x80, v3, vm0, $0xb8;
	[tilespmem:$0x8080] =	vst v63  }
0x5f: {  	v3 =	vld [tilespmem:$0x70];
	_ =	sdelay $0x4  }
0x60: {  	v39 =	vshll.u32 v3, $0x1  }
0x61: {  	v3 =	vand.u32 $0x7, v3;
	v4 =	vand.u32 $0xFFFFFFF0, v39  }
0x62: {  	v3 =	vor.u32 v3, v4  }
0x63: {  	v4 =	vperm.xlane v3, v0;
	_ =	sdelay $0x1  }
0x64: {  	v3 =	vperm.xlane v3, v2;
	v4 =	vadd.s32 v1, v4;
	_ =	sdelay $0x1  }
0x65: {  	v3 =	vadd.s32 v1, v3;
	_ =	sdelay $0x2  }
0x66: {  	[tilespmem:s29], [sflag:$0x1] =	stream.indirect_vreg.gather [hbm4b:s1+s3], $0x80, v4, vm0, $0xb8;
	[tilespmem:$0x8080] =	vst v63  }
0x67: {  	_ = 	snop  }
0x68: {  	[tilespmem:s30], [sflag:$0x1] =	stream.indirect_vreg.gather [hbm4b:s1+s3], $0x80, v3, vm0, $0xb8;
	[tilespmem:$0x8080] =	vst v63  }
0x69: {  	_ =	swait.ge [sflag:s31], $0x8000  }
0x6a: {  	[sflag:s31] =	ssyncset.done $0x0  }
0x6b: {  	[sflag:s31] =	ssyncadd.s32 $0xFFFF8000  }
0x6c: {  	[hbm4b:s5+s3] =	stream.linear.scatter [tilespmem:s14], [sflag:$0x2], $0x8000, $0x38;
	[tilespmem:$0x8080] =	vst v63  }
0x6d: {  	_ =	swait.ge [sflag:s13], $0x8000  }
0x6e: {  	[sflag:s13] =	ssyncset.done $0x0  }
0x6f: {  	[sflag:s13] =	ssyncadd.s32 $0xFFFF8000  }
0x70: {  	[tilespmem:s3], [sflag:$0x2] =	stream.linear.gather [hbm4b:s6+s3], $0x80, $0x38;
	[tilespmem:$0x8080] =	vst v63  }
0x71: {  	_ =	swait.ge [sflag:s13], $0x80  }
0x72: {  	[sflag:s13] =	ssyncset.done $0x0  }
0x73: {  	[sflag:s13] =	ssyncadd.s32 $0xFFFFFF80  }
0x74: {  	v3 =	vld [tilespmem:$0x0];
	_ =	sdelay $0x4  }
0x75: {  	v40 =	vshll.u32 v3, $0x1  }
0x76: {  	v3 =	vand.u32 $0x7, v3;
	v4 =	vand.u32 $0xFFFFFFF0, v40  }
0x77: {  	v3 =	vor.u32 v3, v4  }
0x78: {  	v4 =	vperm.xlane v3, v0;
	_ =	sdelay $0x1  }
0x79: {  	v3 =	vperm.xlane v3, v2;
	v4 =	vadd.s32 v1, v4;
	_ =	sdelay $0x1  }
0x7a: {  	v3 =	vadd.s32 v1, v3;
	_ =	sdelay $0x2  }
0x7b: {  	[tilespmem:s14], [sflag:$0x1] =	stream.indirect_vreg.gather [hbm4b:s1+s3], $0x80, v4, vm0, $0xb8;
	[tilespmem:$0x8080] =	vst v63  }
0x7c: {  	_ = 	snop  }
0x7d: {  	[tilespmem:s15], [sflag:$0x1] =	stream.indirect_vreg.gather [hbm4b:s1+s3], $0x80, v3, vm0, $0xb8;
	[tilespmem:$0x8080] =	vst v63  }
0x7e: {  	v3 =	vld [tilespmem:$0x10];
	_ =	sdelay $0x4  }
0x7f: {  	v41 =	vshll.u32 v3, $0x1  }
0x80: {  	v3 =	vand.u32 $0x7, v3;
	v4 =	vand.u32 $0xFFFFFFF0, v41  }
0x81: {  	v3 =	vor.u32 v3, v4  }
0x82: {  	v4 =	vperm.xlane v3, v0;
	_ =	sdelay $0x1  }
0x83: {  	v3 =	vperm.xlane v3, v2;
	v4 =	vadd.s32 v1, v4;
	_ =	sdelay $0x1  }
0x84: {  	v3 =	vadd.s32 v1, v3;
	_ =	sdelay $0x2  }
0x85: {  	[tilespmem:s16], [sflag:$0x1] =	stream.indirect_vreg.gather [hbm4b:s1+s3], $0x80, v4, vm0, $0xb8;
	[tilespmem:$0x8080] =	vst v63  }
0x86: {  	_ = 	snop  }
0x87: {  	[tilespmem:s17], [sflag:$0x1] =	stream.indirect_vreg.gather [hbm4b:s1+s3], $0x80, v3, vm0, $0xb8;
	[tilespmem:$0x8080] =	vst v63  }
0x88: {  	v3 =	vld [tilespmem:$0x20];
	_ =	sdelay $0x4  }
0x89: {  	v42 =	vshll.u32 v3, $0x1  }
0x8a: {  	v3 =	vand.u32 $0x7, v3;
	v4 =	vand.u32 $0xFFFFFFF0, v42  }
0x8b: {  	v3 =	vor.u32 v3, v4  }
0x8c: {  	v4 =	vperm.xlane v3, v0;
	_ =	sdelay $0x1  }
0x8d: {  	v3 =	vperm.xlane v3, v2;
	v4 =	vadd.s32 v1, v4;
	_ =	sdelay $0x1  }
0x8e: {  	v3 =	vadd.s32 v1, v3;
	_ =	sdelay $0x2  }
0x8f: {  	[tilespmem:s18], [sflag:$0x1] =	stream.indirect_vreg.gather [hbm4b:s1+s3], $0x80, v4, vm0, $0xb8;
	[tilespmem:$0x8080] =	vst v63  }
0x90: {  	_ = 	snop  }
0x91: {  	[tilespmem:s19], [sflag:$0x1] =	stream.indirect_vreg.gather [hbm4b:s1+s3], $0x80, v3, vm0, $0xb8;
	[tilespmem:$0x8080] =	vst v63  }
0x92: {  	v3 =	vld [tilespmem:$0x30];
	_ =	sdelay $0x4  }
0x93: {  	v43 =	vshll.u32 v3, $0x1  }
0x94: {  	v3 =	vand.u32 $0x7, v3;
	v4 =	vand.u32 $0xFFFFFFF0, v43  }
0x95: {  	v3 =	vor.u32 v3, v4  }
0x96: {  	v4 =	vperm.xlane v3, v0;
	_ =	sdelay $0x1  }
0x97: {  	v3 =	vperm.xlane v3, v2;
	v4 =	vadd.s32 v1, v4;
	_ =	sdelay $0x1  }
0x98: {  	v3 =	vadd.s32 v1, v3;
	_ =	sdelay $0x2  }
0x99: {  	[tilespmem:s20], [sflag:$0x1] =	stream.indirect_vreg.gather [hbm4b:s1+s3], $0x80, v4, vm0, $0xb8;
	[tilespmem:$0x8080] =	vst v63  }
0x9a: {  	_ = 	snop  }
0x9b: {  	[tilespmem:s21], [sflag:$0x1] =	stream.indirect_vreg.gather [hbm4b:s1+s3], $0x80, v3, vm0, $0xb8;
	[tilespmem:$0x8080] =	vst v63  }
0x9c: {  	v3 =	vld [tilespmem:$0x40];
	_ =	sdelay $0x4  }
0x9d: {  	v44 =	vshll.u32 v3, $0x1  }
0x9e: {  	v3 =	vand.u32 $0x7, v3;
	v4 =	vand.u32 $0xFFFFFFF0, v44  }
0x9f: {  	v3 =	vor.u32 v3, v4  }
0xa0: {  	v4 =	vperm.xlane v3, v0;
	_ =	sdelay $0x1  }
0xa1: {  	v3 =	vperm.xlane v3, v2;
	v4 =	vadd.s32 v1, v4;
	_ =	sdelay $0x1  }
0xa2: {  	v3 =	vadd.s32 v1, v3;
	_ =	sdelay $0x2  }
0xa3: {  	[tilespmem:s22], [sflag:$0x1] =	stream.indirect_vreg.gather [hbm4b:s1+s3], $0x80, v4, vm0, $0xb8;
	[tilespmem:$0x8080] =	vst v63  }
0xa4: {  	_ = 	snop  }
0xa5: {  	[tilespmem:s23], [sflag:$0x1] =	stream.indirect_vreg.gather [hbm4b:s1+s3], $0x80, v3, vm0, $0xb8;
	[tilespmem:$0x8080] =	vst v63  }
0xa6: {  	v3 =	vld [tilespmem:$0x50];
	_ =	sdelay $0x4  }
0xa7: {  	v45 =	vshll.u32 v3, $0x1  }
0xa8: {  	v3 =	vand.u32 $0x7, v3;
	v4 =	vand.u32 $0xFFFFFFF0, v45  }
0xa9: {  	v3 =	vor.u32 v3, v4  }
0xaa: {  	v4 =	vperm.xlane v3, v0;
	_ =	sdelay $0x1  }
0xab: {  	v3 =	vperm.xlane v3, v2;
	v4 =	vadd.s32 v1, v4;
	_ =	sdelay $0x1  }
0xac: {  	v3 =	vadd.s32 v1, v3;
	_ =	sdelay $0x2  }
0xad: {  	[tilespmem:s24], [sflag:$0x1] =	stream.indirect_vreg.gather [hbm4b:s1+s3], $0x80, v4, vm0, $0xb8;
	[tilespmem:$0x8080] =	vst v63  }
0xae: {  	_ = 	snop  }
0xaf: {  	[tilespmem:s25], [sflag:$0x1] =	stream.indirect_vreg.gather [hbm4b:s1+s3], $0x80, v3, vm0, $0xb8;
	[tilespmem:$0x8080] =	vst v63  }
0xb0: {  	v3 =	vld [tilespmem:$0x60];
	_ =	sdelay $0x4  }
0xb1: {  	v46 =	vshll.u32 v3, $0x1  }
0xb2: {  	v3 =	vand.u32 $0x7, v3;
	v4 =	vand.u32 $0xFFFFFFF0, v46  }
0xb3: {  	v3 =	vor.u32 v3, v4  }
0xb4: {  	v4 =	vperm.xlane v3, v0;
	_ =	sdelay $0x1  }
0xb5: {  	v3 =	vperm.xlane v3, v2;
	v4 =	vadd.s32 v1, v4;
	_ =	sdelay $0x1  }
0xb6: {  	v3 =	vadd.s32 v1, v3;
	_ =	sdelay $0x2  }
0xb7: {  	[tilespmem:s26], [sflag:$0x1] =	stream.indirect_vreg.gather [hbm4b:s1+s3], $0x80, v4, vm0, $0xb8;
	[tilespmem:$0x8080] =	vst v63  }
0xb8: {  	_ = 	snop  }
0xb9: {  	[tilespmem:s28], [sflag:$0x1] =	stream.indirect_vreg.gather [hbm4b:s1+s3], $0x80, v3, vm0, $0xb8;
	[tilespmem:$0x8080] =	vst v63  }
0xba: {  	v3 =	vld [tilespmem:$0x70];
	_ =	sdelay $0x4  }
0xbb: {  	v47 =	vshll.u32 v3, $0x1  }
0xbc: {  	v3 =	vand.u32 $0x7, v3;
	v4 =	vand.u32 $0xFFFFFFF0, v47  }
0xbd: {  	v3 =	vor.u32 v3, v4  }
0xbe: {  	v4 =	vperm.xlane v3, v0;
	_ =	sdelay $0x1  }
0xbf: {  	v3 =	vperm.xlane v3, v2;
	v4 =	vadd.s32 v1, v4;
	_ =	sdelay $0x1  }
0xc0: {  	v3 =	vadd.s32 v1, v3;
	_ =	sdelay $0x2  }
0xc1: {  	[tilespmem:s29], [sflag:$0x1] =	stream.indirect_vreg.gather [hbm4b:s1+s3], $0x80, v4, vm0, $0xb8;
	[tilespmem:$0x8080] =	vst v63  }
0xc2: {  	_ = 	snop  }
0xc3: {  	[tilespmem:s30], [sflag:$0x1] =	stream.indirect_vreg.gather [hbm4b:s1+s3], $0x80, v3, vm0, $0xb8;
	[tilespmem:$0x8080] =	vst v63  }
0xc4: {  	_ =	swait.ge [sflag:s31], $0x8000  }
0xc5: {  	[sflag:s31] =	ssyncset.done $0x0  }
0xc6: {  	[sflag:s31] =	ssyncadd.s32 $0xFFFF8000  }
0xc7: {  	[hbm4b:s7+s3] =	stream.linear.scatter [tilespmem:s14], [sflag:$0x2], $0x8000, $0x38;
	[tilespmem:$0x8080] =	vst v63  }
0xc8: {  	_ =	swait.ge [sflag:s13], $0x8000  }
0xc9: {  	[sflag:s13] =	ssyncset.done $0x0  }
0xca: {  	[sflag:s13] =	ssyncadd.s32 $0xFFFF8000  }
0xcb: {  	[tilespmem:s3], [sflag:$0x2] =	stream.linear.gather [hbm4b:s8+s3], $0x80, $0x38;
	[tilespmem:$0x8080] =	vst v63  }
0xcc: {  	_ =	swait.ge [sflag:s13], $0x80  }
0xcd: {  	[sflag:s13] =	ssyncset.done $0x0  }
0xce: {  	[sflag:s13] =	ssyncadd.s32 $0xFFFFFF80  }
0xcf: {  	v3 =	vld [tilespmem:$0x0];
	_ =	sdelay $0x4  }
0xd0: {  	v48 =	vshll.u32 v3, $0x1  }
0xd1: {  	v3 =	vand.u32 $0x7, v3;
	v4 =	vand.u32 $0xFFFFFFF0, v48  }
0xd2: {  	v3 =	vor.u32 v3, v4  }
0xd3: {  	v4 =	vperm.xlane v3, v0;
	_ =	sdelay $0x1  }
0xd4: {  	v3 =	vperm.xlane v3, v2;
	v4 =	vadd.s32 v1, v4;
	_ =	sdelay $0x1  }
0xd5: {  	v3 =	vadd.s32 v1, v3;
	_ =	sdelay $0x2  }
0xd6: {  	[tilespmem:s14], [sflag:$0x1] =	stream.indirect_vreg.gather [hbm4b:s1+s3], $0x80, v4, vm0, $0xb8;
	[tilespmem:$0x8080] =	vst v63  }
0xd7: {  	_ = 	snop  }
0xd8: {  	[tilespmem:s15], [sflag:$0x1] =	stream.indirect_vreg.gather [hbm4b:s1+s3], $0x80, v3, vm0, $0xb8;
	[tilespmem:$0x8080] =	vst v63  }
0xd9: {  	v3 =	vld [tilespmem:$0x10];
	_ =	sdelay $0x4  }
0xda: {  	v49 =	vshll.u32 v3, $0x1  }
0xdb: {  	v3 =	vand.u32 $0x7, v3;
	v4 =	vand.u32 $0xFFFFFFF0, v49  }
0xdc: {  	v3 =	vor.u32 v3, v4  }
0xdd: {  	v4 =	vperm.xlane v3, v0;
	_ =	sdelay $0x1  }
0xde: {  	v3 =	vperm.xlane v3, v2;
	v4 =	vadd.s32 v1, v4;
	_ =	sdelay $0x1  }
0xdf: {  	v3 =	vadd.s32 v1, v3;
	_ =	sdelay $0x2  }
0xe0: {  	[tilespmem:s16], [sflag:$0x1] =	stream.indirect_vreg.gather [hbm4b:s1+s3], $0x80, v4, vm0, $0xb8;
	[tilespmem:$0x8080] =	vst v63  }
0xe1: {  	_ = 	snop  }
0xe2: {  	[tilespmem:s17], [sflag:$0x1] =	stream.indirect_vreg.gather [hbm4b:s1+s3], $0x80, v3, vm0, $0xb8;
	[tilespmem:$0x8080] =	vst v63  }
0xe3: {  	v3 =	vld [tilespmem:$0x20];
	_ =	sdelay $0x4  }
0xe4: {  	v50 =	vshll.u32 v3, $0x1  }
0xe5: {  	v3 =	vand.u32 $0x7, v3;
	v4 =	vand.u32 $0xFFFFFFF0, v50  }
0xe6: {  	v3 =	vor.u32 v3, v4  }
0xe7: {  	v4 =	vperm.xlane v3, v0;
	_ =	sdelay $0x1  }
0xe8: {  	v3 =	vperm.xlane v3, v2;
	v4 =	vadd.s32 v1, v4;
	_ =	sdelay $0x1  }
0xe9: {  	v3 =	vadd.s32 v1, v3;
	_ =	sdelay $0x2  }
0xea: {  	[tilespmem:s18], [sflag:$0x1] =	stream.indirect_vreg.gather [hbm4b:s1+s3], $0x80, v4, vm0, $0xb8;
	[tilespmem:$0x8080] =	vst v63  }
0xeb: {  	_ = 	snop  }
0xec: {  	[tilespmem:s19], [sflag:$0x1] =	stream.indirect_vreg.gather [hbm4b:s1+s3], $0x80, v3, vm0, $0xb8;
	[tilespmem:$0x8080] =	vst v63  }
0xed: {  	v3 =	vld [tilespmem:$0x30];
	_ =	sdelay $0x4  }
0xee: {  	v51 =	vshll.u32 v3, $0x1  }
0xef: {  	v3 =	vand.u32 $0x7, v3;
	v4 =	vand.u32 $0xFFFFFFF0, v51  }
0xf0: {  	v3 =	vor.u32 v3, v4  }
0xf1: {  	v4 =	vperm.xlane v3, v0;
	_ =	sdelay $0x1  }
0xf2: {  	v3 =	vperm.xlane v3, v2;
	v4 =	vadd.s32 v1, v4;
	_ =	sdelay $0x1  }
0xf3: {  	v3 =	vadd.s32 v1, v3;
	_ =	sdelay $0x2  }
0xf4: {  	[tilespmem:s20], [sflag:$0x1] =	stream.indirect_vreg.gather [hbm4b:s1+s3], $0x80, v4, vm0, $0xb8;
	[tilespmem:$0x8080] =	vst v63  }
0xf5: {  	_ = 	snop  }
0xf6: {  	[tilespmem:s21], [sflag:$0x1] =	stream.indirect_vreg.gather [hbm4b:s1+s3], $0x80, v3, vm0, $0xb8;
	[tilespmem:$0x8080] =	vst v63  }
0xf7: {  	v3 =	vld [tilespmem:$0x40];
	_ =	sdelay $0x4  }
0xf8: {  	v52 =	vshll.u32 v3, $0x1  }
0xf9: {  	v3 =	vand.u32 $0x7, v3;
	v4 =	vand.u32 $0xFFFFFFF0, v52  }
0xfa: {  	v3 =	vor.u32 v3, v4  }
0xfb: {  	v4 =	vperm.xlane v3, v0;
	_ =	sdelay $0x1  }
0xfc: {  	v3 =	vperm.xlane v3, v2;
	v4 =	vadd.s32 v1, v4;
	_ =	sdelay $0x1  }
0xfd: {  	v3 =	vadd.s32 v1, v3;
	_ =	sdelay $0x2  }
0xfe: {  	[tilespmem:s22], [sflag:$0x1] =	stream.indirect_vreg.gather [hbm4b:s1+s3], $0x80, v4, vm0, $0xb8;
	[tilespmem:$0x8080] =	vst v63  }
0xff: {  	_ = 	snop  }
0x100: {  	[tilespmem:s23], [sflag:$0x1] =	stream.indirect_vreg.gather [hbm4b:s1+s3], $0x80, v3, vm0, $0xb8;
	[tilespmem:$0x8080] =	vst v63  }
0x101: {  	v3 =	vld [tilespmem:$0x50];
	_ =	sdelay $0x4  }
0x102: {  	v53 =	vshll.u32 v3, $0x1  }
0x103: {  	v3 =	vand.u32 $0x7, v3;
	v4 =	vand.u32 $0xFFFFFFF0, v53  }
0x104: {  	v3 =	vor.u32 v3, v4  }
0x105: {  	v4 =	vperm.xlane v3, v0;
	_ =	sdelay $0x1  }
0x106: {  	v3 =	vperm.xlane v3, v2;
	v4 =	vadd.s32 v1, v4;
	_ =	sdelay $0x1  }
0x107: {  	v3 =	vadd.s32 v1, v3;
	_ =	sdelay $0x2  }
0x108: {  	[tilespmem:s24], [sflag:$0x1] =	stream.indirect_vreg.gather [hbm4b:s1+s3], $0x80, v4, vm0, $0xb8;
	[tilespmem:$0x8080] =	vst v63  }
0x109: {  	_ = 	snop  }
0x10a: {  	[tilespmem:s25], [sflag:$0x1] =	stream.indirect_vreg.gather [hbm4b:s1+s3], $0x80, v3, vm0, $0xb8;
	[tilespmem:$0x8080] =	vst v63  }
0x10b: {  	v3 =	vld [tilespmem:$0x60];
	_ =	sdelay $0x4  }
0x10c: {  	v54 =	vshll.u32 v3, $0x1  }
0x10d: {  	v3 =	vand.u32 $0x7, v3;
	v4 =	vand.u32 $0xFFFFFFF0, v54  }
0x10e: {  	v3 =	vor.u32 v3, v4  }
0x10f: {  	v4 =	vperm.xlane v3, v0;
	_ =	sdelay $0x1  }
0x110: {  	v3 =	vperm.xlane v3, v2;
	v4 =	vadd.s32 v1, v4;
	_ =	sdelay $0x1  }
0x111: {  	v3 =	vadd.s32 v1, v3;
	_ =	sdelay $0x2  }
0x112: {  	[tilespmem:s26], [sflag:$0x1] =	stream.indirect_vreg.gather [hbm4b:s1+s3], $0x80, v4, vm0, $0xb8;
	[tilespmem:$0x8080] =	vst v63  }
0x113: {  	_ = 	snop  }
0x114: {  	[tilespmem:s28], [sflag:$0x1] =	stream.indirect_vreg.gather [hbm4b:s1+s3], $0x80, v3, vm0, $0xb8;
	[tilespmem:$0x8080] =	vst v63  }
0x115: {  	v3 =	vld [tilespmem:$0x70];
	_ =	sdelay $0x4  }
0x116: {  	v55 =	vshll.u32 v3, $0x1  }
0x117: {  	v3 =	vand.u32 $0x7, v3;
	v4 =	vand.u32 $0xFFFFFFF0, v55  }
0x118: {  	v3 =	vor.u32 v3, v4  }
0x119: {  	v4 =	vperm.xlane v3, v0;
	_ =	sdelay $0x1  }
0x11a: {  	v3 =	vperm.xlane v3, v2;
	v4 =	vadd.s32 v1, v4;
	_ =	sdelay $0x1  }
0x11b: {  	v3 =	vadd.s32 v1, v3;
	_ =	sdelay $0x2  }
0x11c: {  	[tilespmem:s29], [sflag:$0x1] =	stream.indirect_vreg.gather [hbm4b:s1+s3], $0x80, v4, vm0, $0xb8;
	[tilespmem:$0x8080] =	vst v63  }
0x11d: {  	_ = 	snop  }
0x11e: {  	[tilespmem:s30], [sflag:$0x1] =	stream.indirect_vreg.gather [hbm4b:s1+s3], $0x80, v3, vm0, $0xb8;
	[tilespmem:$0x8080] =	vst v63  }
0x11f: {  	_ =	swait.ge [sflag:s31], $0x8000  }
0x120: {  	[sflag:s31] =	ssyncset.done $0x0  }
0x121: {  	[sflag:s31] =	ssyncadd.s32 $0xFFFF8000  }
0x122: {  	[hbm4b:s9+s3] =	stream.linear.scatter [tilespmem:s14], [sflag:$0x2], $0x8000, $0x38;
	[tilespmem:$0x8080] =	vst v63  }
0x123: {  	_ =	swait.ge [sflag:s13], $0x8000  }
0x124: {  	[sflag:s13] =	ssyncset.done $0x0  }
0x125: {  	[sflag:s13] =	ssyncadd.s32 $0xFFFF8000  }
0x126: {  	[tilespmem:s3], [sflag:$0x2] =	stream.linear.gather [hbm4b:s10+s3], $0x80, $0x38;
	[tilespmem:$0x8080] =	vst v63  }
0x127: {  	_ =	swait.ge [sflag:s13], $0x80  }
0x128: {  	[sflag:s13] =	ssyncset.done $0x0  }
0x129: {  	[sflag:s13] =	ssyncadd.s32 $0xFFFFFF80  }
0x12a: {  	v3 =	vld [tilespmem:$0x0];
	_ =	sdelay $0x4  }
0x12b: {  	v56 =	vshll.u32 v3, $0x1  }
0x12c: {  	v3 =	vand.u32 $0x7, v3;
	v4 =	vand.u32 $0xFFFFFFF0, v56  }
0x12d: {  	v3 =	vor.u32 v3, v4  }
0x12e: {  	v4 =	vperm.xlane v3, v0;
	_ =	sdelay $0x1  }
0x12f: {  	v3 =	vperm.xlane v3, v2;
	v4 =	vadd.s32 v1, v4;
	_ =	sdelay $0x1  }
0x130: {  	v3 =	vadd.s32 v1, v3;
	_ =	sdelay $0x2  }
0x131: {  	[tilespmem:s14], [sflag:$0x1] =	stream.indirect_vreg.gather [hbm4b:s1+s3], $0x80, v4, vm0, $0xb8;
	[tilespmem:$0x8080] =	vst v63  }
0x132: {  	_ = 	snop  }
0x133: {  	[tilespmem:s15], [sflag:$0x1] =	stream.indirect_vreg.gather [hbm4b:s1+s3], $0x80, v3, vm0, $0xb8;
	[tilespmem:$0x8080] =	vst v63  }
0x134: {  	v3 =	vld [tilespmem:$0x10];
	_ =	sdelay $0x4  }
0x135: {  	v57 =	vshll.u32 v3, $0x1  }
0x136: {  	v3 =	vand.u32 $0x7, v3;
	v4 =	vand.u32 $0xFFFFFFF0, v57  }
0x137: {  	v3 =	vor.u32 v3, v4  }
0x138: {  	v4 =	vperm.xlane v3, v0;
	_ =	sdelay $0x1  }
0x139: {  	v3 =	vperm.xlane v3, v2;
	v4 =	vadd.s32 v1, v4;
	_ =	sdelay $0x1  }
0x13a: {  	v3 =	vadd.s32 v1, v3;
	_ =	sdelay $0x2  }
0x13b: {  	[tilespmem:s16], [sflag:$0x1] =	stream.indirect_vreg.gather [hbm4b:s1+s3], $0x80, v4, vm0, $0xb8;
	[tilespmem:$0x8080] =	vst v63  }
0x13c: {  	_ = 	snop  }
0x13d: {  	[tilespmem:s17], [sflag:$0x1] =	stream.indirect_vreg.gather [hbm4b:s1+s3], $0x80, v3, vm0, $0xb8;
	[tilespmem:$0x8080] =	vst v63  }
0x13e: {  	v3 =	vld [tilespmem:$0x20];
	_ =	sdelay $0x4  }
0x13f: {  	v58 =	vshll.u32 v3, $0x1  }
0x140: {  	v3 =	vand.u32 $0x7, v3;
	v4 =	vand.u32 $0xFFFFFFF0, v58  }
0x141: {  	v3 =	vor.u32 v3, v4  }
0x142: {  	v4 =	vperm.xlane v3, v0;
	_ =	sdelay $0x1  }
0x143: {  	v3 =	vperm.xlane v3, v2;
	v4 =	vadd.s32 v1, v4;
	_ =	sdelay $0x1  }
0x144: {  	v3 =	vadd.s32 v1, v3;
	_ =	sdelay $0x2  }
0x145: {  	[tilespmem:s18], [sflag:$0x1] =	stream.indirect_vreg.gather [hbm4b:s1+s3], $0x80, v4, vm0, $0xb8;
	[tilespmem:$0x8080] =	vst v63  }
0x146: {  	_ = 	snop  }
0x147: {  	[tilespmem:s19], [sflag:$0x1] =	stream.indirect_vreg.gather [hbm4b:s1+s3], $0x80, v3, vm0, $0xb8;
	[tilespmem:$0x8080] =	vst v63  }
0x148: {  	v3 =	vld [tilespmem:$0x30];
	_ =	sdelay $0x4  }
0x149: {  	v59 =	vshll.u32 v3, $0x1  }
0x14a: {  	v3 =	vand.u32 $0x7, v3;
	v4 =	vand.u32 $0xFFFFFFF0, v59  }
0x14b: {  	v3 =	vor.u32 v3, v4  }
0x14c: {  	v4 =	vperm.xlane v3, v0;
	_ =	sdelay $0x1  }
0x14d: {  	v3 =	vperm.xlane v3, v2;
	v4 =	vadd.s32 v1, v4;
	_ =	sdelay $0x1  }
0x14e: {  	v3 =	vadd.s32 v1, v3;
	_ =	sdelay $0x2  }
0x14f: {  	[tilespmem:s20], [sflag:$0x1] =	stream.indirect_vreg.gather [hbm4b:s1+s3], $0x80, v4, vm0, $0xb8;
	[tilespmem:$0x8080] =	vst v63  }
0x150: {  	_ = 	snop  }
0x151: {  	[tilespmem:s21], [sflag:$0x1] =	stream.indirect_vreg.gather [hbm4b:s1+s3], $0x80, v3, vm0, $0xb8;
	[tilespmem:$0x8080] =	vst v63  }
0x152: {  	v3 =	vld [tilespmem:$0x40];
	_ =	sdelay $0x4  }
0x153: {  	v60 =	vshll.u32 v3, $0x1  }
0x154: {  	v3 =	vand.u32 $0x7, v3;
	v4 =	vand.u32 $0xFFFFFFF0, v60  }
0x155: {  	v3 =	vor.u32 v3, v4  }
0x156: {  	v4 =	vperm.xlane v3, v0;
	_ =	sdelay $0x1  }
0x157: {  	v3 =	vperm.xlane v3, v2;
	v4 =	vadd.s32 v1, v4;
	_ =	sdelay $0x1  }
0x158: {  	v3 =	vadd.s32 v1, v3;
	_ =	sdelay $0x2  }
0x159: {  	[tilespmem:s22], [sflag:$0x1] =	stream.indirect_vreg.gather [hbm4b:s1+s3], $0x80, v4, vm0, $0xb8;
	[tilespmem:$0x8080] =	vst v63  }
0x15a: {  	_ = 	snop  }
0x15b: {  	[tilespmem:s23], [sflag:$0x1] =	stream.indirect_vreg.gather [hbm4b:s1+s3], $0x80, v3, vm0, $0xb8;
	[tilespmem:$0x8080] =	vst v63  }
0x15c: {  	v3 =	vld [tilespmem:$0x50];
	_ =	sdelay $0x4  }
0x15d: {  	v61 =	vshll.u32 v3, $0x1  }
0x15e: {  	v3 =	vand.u32 $0x7, v3;
	v4 =	vand.u32 $0xFFFFFFF0, v61  }
0x15f: {  	v3 =	vor.u32 v3, v4  }
0x160: {  	v4 =	vperm.xlane v3, v0;
	_ =	sdelay $0x1  }
0x161: {  	v3 =	vperm.xlane v3, v2;
	v4 =	vadd.s32 v1, v4;
	_ =	sdelay $0x1  }
0x162: {  	v3 =	vadd.s32 v1, v3;
	_ =	sdelay $0x2  }
0x163: {  	[tilespmem:s24], [sflag:$0x1] =	stream.indirect_vreg.gather [hbm4b:s1+s3], $0x80, v4, vm0, $0xb8;
	[tilespmem:$0x8080] =	vst v63  }
0x164: {  	_ = 	snop  }
0x165: {  	[tilespmem:s25], [sflag:$0x1] =	stream.indirect_vreg.gather [hbm4b:s1+s3], $0x80, v3, vm0, $0xb8;
	[tilespmem:$0x8080] =	vst v63  }
0x166: {  	v3 =	vld [tilespmem:$0x60];
	_ =	sdelay $0x4  }
0x167: {  	v62 =	vshll.u32 v3, $0x1  }
0x168: {  	v3 =	vand.u32 $0x7, v3;
	v4 =	vand.u32 $0xFFFFFFF0, v62  }
0x169: {  	v3 =	vor.u32 v3, v4  }
0x16a: {  	v4 =	vperm.xlane v3, v0;
	_ =	sdelay $0x1  }
0x16b: {  	v3 =	vperm.xlane v3, v2;
	v4 =	vadd.s32 v1, v4;
	_ =	sdelay $0x1  }
0x16c: {  	v3 =	vadd.s32 v1, v3;
	_ =	sdelay $0x2  }
0x16d: {  	[tilespmem:s26], [sflag:$0x1] =	stream.indirect_vreg.gather [hbm4b:s1+s3], $0x80, v4, vm0, $0xb8;
	[tilespmem:$0x8080] =	vst v63  }
0x16e: {  	_ = 	snop  }
0x16f: {  	[tilespmem:s28], [sflag:$0x1] =	stream.indirect_vreg.gather [hbm4b:s1+s3], $0x80, v3, vm0, $0xb8;
	[tilespmem:$0x8080] =	vst v63  }
0x170: {  	v3 =	vld [tilespmem:$0x70];
	_ =	sdelay $0x4  }
0x171: {  	v63 =	vshll.u32 v3, $0x1  }
0x172: {  	v3 =	vand.u32 $0x7, v3;
	v4 =	vand.u32 $0xFFFFFFF0, v63  }
0x173: {  	v3 =	vor.u32 v3, v4  }
0x174: {  	v4 =	vperm.xlane v3, v0;
	_ =	sdelay $0x1  }
0x175: {  	v3 =	vperm.xlane v3, v2;
	v4 =	vadd.s32 v1, v4;
	_ =	sdelay $0x1  }
0x176: {  	v3 =	vadd.s32 v1, v3;
	_ =	sdelay $0x2  }
0x177: {  	[tilespmem:s29], [sflag:$0x1] =	stream.indirect_vreg.gather [hbm4b:s1+s3], $0x80, v4, vm0, $0xb8;
	[tilespmem:$0x8080] =	vst v63  }
0x178: {  	_ = 	snop  }
0x179: {  	[tilespmem:s30], [sflag:$0x1] =	stream.indirect_vreg.gather [hbm4b:s1+s3], $0x80, v3, vm0, $0xb8;
	[tilespmem:$0x8080] =	vst v63  }
0x17a: {  	_ =	swait.ge [sflag:s31], $0x8000  }
0x17b: {  	p0 =	sne.s32 s12, $0x1;
	[sflag:s31] =	ssyncset.done $0x0  }
.Ltmp0:
0x17c: {  	[sflag:s31] =	ssyncadd.s32 $0xFFFF8000;
	(pc) =	sbr.rel @p0 .LBB2_1-.Ltmp0, $4  }
0x17d: {  	[hbm4b:s11+s3] =	stream.linear.scatter [tilespmem:s14], [sflag:$0x2], $0x8000, $0x38;
	[tilespmem:$0x8080] =	vst v63  }
0x17e: {  	_ =	swait.ge [sflag:s13], $0x8000  }
0x17f: {  	[sflag:s13] =	ssyncset.done $0x0  }
0x180: {  	s12 =	sadd.s32 $0xFFFFFFFF, s12;
	[sflag:s13] =	ssyncadd.s32 $0xFFFF8000  }
0x181: {  	_ =	sfence.sel $0x180000  }
0x182: {  	[bflag:$0x0] =	sbarrier.arrive $0xFFFF  }
0x183: {  	p0 =	sne.s32 s2, $0x0;
	_ =	strace $0x90000047  }
0x184: {  	s0 =	sadd.s32 @!p0 $0x100000, s0;
	[bflag:$0x2] =	sbarrier.arrive $0xFFFF  }
0x185: {  	[sflag:s0] =	ssyncadd.tile.s32 @!p0 $0x1;
	_ =	shalt  }
.Lfunc_end2:
_tile_overlayer_lowered:
.L_overlay_start_2:
0x186: {  	(tag) =	ssettag $0x2  }
0x187: {  	s0 =	rddreg [dreg:$0x0];
	s2 =	stileid.u32  }
0x188: {  	s1 =	rddreg [dreg:$0x1];
	p0 =	sne.s32 s2, $0x0  }
0x189: {  	s3 =	rddreg [dreg:$0x2];
	[bflag:$0x3] =	sbarrier.arrive $0xFFFF;
	s2 =	simm.s32 @!p0 $0x1C02  }
0x18a: {  	[timem:s3], [sflag:s2] =	dma.local @!p0 [hbm:s0], s1  }
0x18b: {  	s0 =	simm.s32 @!p0 $0x2  }
0x18c: {  	_ =	swait.ge @!p0 [sflag:s0], s1  }
0x18d: {  	s1 =	ssub.s32 @!p0 $0x0, s1;
	[sflag:s0] =	ssyncset.done @!p0 $0x0  }
0x18e: {  	[sflag:s0] =	ssyncadd.s32 @!p0 s1  }
0x18f: {  	[bflag:$0x3] =	sbarrier.arrive $0xFFFF  }
0x190: {  	_ =	shalt  }

</sc_bundles>
